<compile_context>
chip_gen: v7x
topology: tpu7x:2x2x1
jax: 0.10.2.dev20260603
libtpu: 0.0.44.dev20260713+nightly
codegen_flags: <defaults>
</compile_context>

<pallas_src>
import functools

import jax
import jax.numpy as jnp
from jax import lax
from jax.experimental import pallas as pl
from jax.experimental.pallas import tpu as pltpu
from jax.experimental.pallas import tpu_sc as plsc

D = 128
NC, NS = 2, 16
NW = NC * NS
NBUF = 4
SPB = 32
SPLITS = ((0, 128), (128, 72))


def _make_gather(B_rows, H):
    assert sum(n for _, n in SPLITS) == H
    n_slots = B_rows // NW
    assert B_rows % NW == 0
    assert n_slots % SPB == 0 and n_slots % NBUF == 0
    n_quads = n_slots // NBUF
    n_blocks = n_slots // SPB
    mesh = plsc.VectorSubcoreMesh(core_axis_name="c", subcore_axis_name="s")

    @functools.partial(
        pl.kernel,
        out_type=jax.ShapeDtypeStruct((B_rows, H, D), jnp.float32),
        mesh=mesh,
        scratch_types=[
            pltpu.VMEM((2, SPB, H), jnp.int32),
            pltpu.VMEM((NBUF, H, D), jnp.float32),
            pltpu.SemaphoreType.DMA((NBUF,)),
            pltpu.SemaphoreType.DMA((NBUF,)),
            pltpu.SemaphoreType.DMA,
        ],
    )
    def gather_kernel(idx_hbm, table_hbm, out_hbm, idx_blk, rows_v,
                      sem_g, sem_w, sem_i):
        wid = lax.axis_index("s") * NC + lax.axis_index("c")
        row_base = wid * n_slots

        def blk_copy(kb):
            return pltpu.make_async_copy(
                idx_hbm.at[pl.ds(row_base + kb * SPB, SPB)],
                idx_blk.at[lax.rem(kb, 2)], sem_i)

        def gath_copies(s, b):
            sel = lax.rem(s // SPB, 2)
            r = lax.rem(s, SPB)
            return [
                pltpu.make_async_copy(
                    table_hbm.at[idx_blk.at[sel, r, pl.ds(off, n)]],
                    rows_v.at[b, pl.ds(off, n)], sem_g.at[b])
                for off, n in SPLITS
            ]

        def out_copy(s, b):
            return pltpu.make_async_copy(
                rows_v.at[b], out_hbm.at[row_base + s], sem_w.at[b])

        pltpu.sync_copy(idx_hbm.at[pl.ds(row_base, SPB)], idx_blk.at[0])
        blk_copy(1).start()
        for b in range(2):
            for c in gath_copies(b, b):
                c.start()

        def body(q, carry):
            for b4 in range(NBUF):
                s = NBUF * q + b4
                b = b4

                @pl.when(s >= 2)
                def _():
                    out_copy(s - 2, (b + 2) % NBUF).wait()

                sf = s + 2

                @pl.when(sf < n_slots)
                def _():
                    @pl.when(lax.rem(sf, SPB) == 0)
                    def _():
                        blk_copy(sf // SPB).wait()

                    for c in gath_copies(sf, (b + 2) % NBUF):
                        c.start()

                for c in gath_copies(s, b):
                    c.wait()
                out_copy(s, b).start()

                @pl.when((lax.rem(s, SPB) == SPB - 1)
                         & (s // SPB + 2 < n_blocks))
                def _():
                    blk_copy(s // SPB + 2).start()
            return carry

        lax.fori_loop(0, n_quads, body, 0)
        out_copy(n_slots - 2, (n_slots - 2) % NBUF).wait()
        out_copy(n_slots - 1, (n_slots - 1) % NBUF).wait()

    return gather_kernel


def kernel(idx, table):
    B_rows, H = idx.shape
    return _make_gather(B_rows, H)(idx, table)

# --- scband reference (transcript-rebuilt; emitter-appended) ---
"""Pipeline reference for scband-sinusoidal-encoding1-d-3994319585441 (READ-ONLY COPY).

The authoritative reference and input builder live on the scoring server;
editing this copy changes nothing except your own understanding.
"""

import math
import jax, jax.numpy as jnp
import numpy as np

D_MODEL = 128
BASE = 10000.0
MAX_LEN = 1000000
BATCH = 16384
HIST = 200


def _build_table():
    div_term = jnp.exp(jnp.arange(0, D_MODEL, 2, dtype=jnp.float32) * (-math.log(BASE) / D_MODEL))
    pos = jnp.arange(MAX_LEN, dtype=jnp.float32)[:, None]
    angle = pos * div_term[None, :]
    # interleaved sin/cos, matching torch.stack((sin, cos), dim=-1).reshape(max_len, d_model)
    table = jnp.stack((jnp.sin(angle), jnp.cos(angle)), axis=-1).reshape(MAX_LEN, D_MODEL)
    return table


def setup_inputs(seed: int = 0) -> dict:
    key = jax.random.key(seed)
    idx = jax.random.randint(key, (BATCH, HIST), 0, MAX_LEN, dtype=jnp.int32)
    table = _build_table()
    return {"idx": idx, "table": table}


def reference(idx, table):
    # F.embedding(idx, table) == gather rows of the precomputed sinusoidal table
    return jnp.take(table, idx, axis=0)

if __name__ == "__main__":
    import jax
    _d = setup_inputs()
    print(jax.jit(kernel)(*tuple(_d.values())))

</pallas_src>

<mosaic_0001>
#map = affine_map<(d0, d1) -> (0, 0)>
#map1 = affine_map<(d0, d1) -> (0, 0, 0)>
module attributes {stable_mosaic.version = 14 : i64} {
  func.func @gather_kernel(%arg0: i32, %arg1: i32, %arg2: memref<16384x200xi32, #tpu.memory_space<hbm>>, %arg3: memref<1000000x128xf32, #tpu.memory_space<hbm>>, %arg4: memref<16384x200x128xf32, #tpu.memory_space<hbm>>, %arg5: memref<2x32x200xi32, #tpu.memory_space<vmem>>, %arg6: memref<4x200x128xf32, #tpu.memory_space<vmem>>, %arg7: memref<4x!tpu.dma_semaphore, #tpu.memory_space<semaphore_mem>>, %arg8: memref<4x!tpu.dma_semaphore, #tpu.memory_space<semaphore_mem>>, %arg9: memref<!tpu.dma_semaphore, #tpu.memory_space<semaphore_mem>>) attributes {dimension_semantics = [#tpu.dimension_semantics<core_parallel>, #tpu.dimension_semantics<subcore_parallel>], iteration_bounds = array<i64: 2, 16>, scalar_prefetch = 0 : i64, scratch_operands = 5 : i64, tpu.core_type = #tpu.core_type<sc_vector_subcore>, window_params = [{transform_indices = #map}, {transform_indices = #map}, {transform_indices = #map1}]} {
    %mul3A = arith.constant 2 : i32
    %mul3A_0 = arith.muli %arg1, %mul3A : i32
    %add3A = arith.addi %mul3A_0, %arg0 : i32
    %mul3A_1 = arith.constant 512 : i32
    %mul3A_2 = arith.muli %add3A, %mul3A_1 : i32
    %run_scoped3A = arith.constant 0 : i32
    "tpu.region"() ({
      %run_scoped3A_134 = tpu.sem_alloc : memref<!tpu.dma_semaphore, #tpu.memory_space<semaphore_mem>>
      %dma_start3A_135 = arith.constant 0 : i32
      %dma_start3A_136 = arith.constant 0 : i32
      %dma_start3A_137 = tpu.memref_slice %arg5[%run_scoped3A, %dma_start3A_135, %dma_start3A_136] : memref<2x32x200xi32, #tpu.memory_space<vmem>> -> memref<1x32x200xi32, #tpu.memory_space<vmem>>
      %dma_start3A_138 = tpu.memref_squeeze %dma_start3A_137 : memref<1x32x200xi32, #tpu.memory_space<vmem>> -> memref<32x200xi32, #tpu.memory_space<vmem>>
      %dma_start3A_139 = arith.constant 0 : i32
      %dma_start3A_140 = tpu.memref_slice %arg2[%mul3A_2, %dma_start3A_139] : memref<16384x200xi32, #tpu.memory_space<hbm>> -> memref<32x200xi32, #tpu.memory_space<hbm>>
      %dma_start3A_141 = arith.constant 0 : i32
      %dma_start3A_142 = arith.constant 0 : i32
      %dma_start3A_143 = tpu.memref_slice %arg5[%run_scoped3A, %dma_start3A_141, %dma_start3A_142] : memref<2x32x200xi32, #tpu.memory_space<vmem>> -> memref<1x32x200xi32, #tpu.memory_space<vmem>>
      %dma_start3A_144 = tpu.memref_squeeze %dma_start3A_143 : memref<1x32x200xi32, #tpu.memory_space<vmem>> -> memref<32x200xi32, #tpu.memory_space<vmem>>
      %dma_start3A_145 = arith.constant 0 : i32
      %dma_start3A_146 = tpu.memref_slice %arg2[%mul3A_2, %dma_start3A_145] : memref<16384x200xi32, #tpu.memory_space<hbm>> -> memref<32x200xi32, #tpu.memory_space<hbm>>
      tpu.enqueue_dma source(%dma_start3A_146 : memref<32x200xi32, #tpu.memory_space<hbm>>) target(%dma_start3A_144 : memref<32x200xi32, #tpu.memory_space<vmem>>) target_semaphore(%run_scoped3A_134 : memref<!tpu.dma_semaphore, #tpu.memory_space<semaphore_mem>>)
      %dma_wait3A_147 = arith.constant 0 : i32
      %dma_wait3A_148 = arith.constant 0 : i32
      %dma_wait3A_149 = tpu.memref_slice %arg5[%run_scoped3A, %dma_wait3A_147, %dma_wait3A_148] : memref<2x32x200xi32, #tpu.memory_space<vmem>> -> memref<1x32x200xi32, #tpu.memory_space<vmem>>
      %dma_wait3A_150 = tpu.memref_squeeze %dma_wait3A_149 : memref<1x32x200xi32, #tpu.memory_space<vmem>> -> memref<32x200xi32, #tpu.memory_space<vmem>>
      %dma_wait3A_151 = arith.constant 0 : i32
      %dma_wait3A_152 = tpu.memref_slice %arg2[%mul3A_2, %dma_wait3A_151] : memref<16384x200xi32, #tpu.memory_space<hbm>> -> memref<32x200xi32, #tpu.memory_space<hbm>>
      %dma_wait3A_153 = arith.constant 0 : i32
      %dma_wait3A_154 = arith.constant 0 : i32
      %dma_wait3A_155 = tpu.memref_slice %arg5[%run_scoped3A, %dma_wait3A_153, %dma_wait3A_154] : memref<2x32x200xi32, #tpu.memory_space<vmem>> -> memref<1x32x200xi32, #tpu.memory_space<vmem>>
      %dma_wait3A_156 = tpu.memref_squeeze %dma_wait3A_155 : memref<1x32x200xi32, #tpu.memory_space<vmem>> -> memref<32x200xi32, #tpu.memory_space<vmem>>
      %dma_wait3A_157 = arith.constant 0 : i32
      %dma_wait3A_158 = tpu.memref_slice %arg2[%mul3A_2, %dma_wait3A_157] : memref<16384x200xi32, #tpu.memory_space<hbm>> -> memref<32x200xi32, #tpu.memory_space<hbm>>
      tpu.wait_dma2 semaphore(%run_scoped3A_134 : memref<!tpu.dma_semaphore, #tpu.memory_space<semaphore_mem>>) src(%dma_wait3A_158 : memref<32x200xi32, #tpu.memory_space<hbm>>) dst(%dma_wait3A_156 : memref<32x200xi32, #tpu.memory_space<vmem>>)
      tpu.yield
    }) : () -> ()
    %add3A_3 = arith.constant 32 : i32
    %add3A_4 = arith.addi %mul3A_2, %add3A_3 : i32
    %rem3A = arith.constant 1 : i32
    %rem3A_5 = arith.constant 2 : i32
    %rem3A_6 = arith.remsi %rem3A, %rem3A_5 : i32
    %dma_start3A = arith.constant 0 : i32
    %dma_start3A_7 = arith.constant 0 : i32
    %dma_start3A_8 = tpu.memref_slice %arg5[%rem3A_6, %dma_start3A, %dma_start3A_7] : memref<2x32x200xi32, #tpu.memory_space<vmem>> -> memref<1x32x200xi32, #tpu.memory_space<vmem>>
    %dma_start3A_9 = tpu.memref_squeeze %dma_start3A_8 : memref<1x32x200xi32, #tpu.memory_space<vmem>> -> memref<32x200xi32, #tpu.memory_space<vmem>>
    %dma_start3A_10 = arith.constant 0 : i32
    %dma_start3A_11 = tpu.memref_slice %arg2[%add3A_4, %dma_start3A_10] : memref<16384x200xi32, #tpu.memory_space<hbm>> -> memref<32x200xi32, #tpu.memory_space<hbm>>
    %dma_start3A_12 = arith.constant 0 : i32
    %dma_start3A_13 = arith.constant 0 : i32
    %dma_start3A_14 = tpu.memref_slice %arg5[%rem3A_6, %dma_start3A_12, %dma_start3A_13] : memref<2x32x200xi32, #tpu.memory_space<vmem>> -> memref<1x32x200xi32, #tpu.memory_space<vmem>>
    %dma_start3A_15 = tpu.memref_squeeze %dma_start3A_14 : memref<1x32x200xi32, #tpu.memory_space<vmem>> -> memref<32x200xi32, #tpu.memory_space<vmem>>
    %dma_start3A_16 = arith.constant 0 : i32
    %dma_start3A_17 = tpu.memref_slice %arg2[%add3A_4, %dma_start3A_16] : memref<16384x200xi32, #tpu.memory_space<hbm>> -> memref<32x200xi32, #tpu.memory_space<hbm>>
    tpu.enqueue_dma source(%dma_start3A_17 : memref<32x200xi32, #tpu.memory_space<hbm>>) target(%dma_start3A_15 : memref<32x200xi32, #tpu.memory_space<vmem>>) target_semaphore(%arg9 : memref<!tpu.dma_semaphore, #tpu.memory_space<semaphore_mem>>)
    %rem3A_18 = arith.constant 0 : i32
    %rem3A_19 = arith.constant 2 : i32
    %rem3A_20 = arith.remsi %rem3A_18, %rem3A_19 : i32
    %rem3A_21 = arith.constant 0 : i32
    %rem3A_22 = arith.constant 32 : i32
    %rem3A_23 = arith.remsi %rem3A_21, %rem3A_22 : i32
    %dma_start3A_24 = arith.constant 0 : i32
    %dma_start3A_25 = arith.constant 0 : i32
    %dma_start3A_26 = arith.constant 0 : i32
    %dma_start3A_27 = arith.constant 0 : i32
    %dma_start3A_28 = tpu.memref_slice %arg6[%dma_start3A_24, %dma_start3A_26, %dma_start3A_27] : memref<4x200x128xf32, #tpu.memory_space<vmem>> -> memref<1x128x128xf32, #tpu.memory_space<vmem>>
    %dma_start3A_29 = tpu.memref_squeeze %dma_start3A_28 : memref<1x128x128xf32, #tpu.memory_space<vmem>> -> memref<128x128xf32, #tpu.memory_space<vmem>>
    %dma_start3A_30 = arith.constant 0 : i32
    %dma_start3A_31 = tpu.memref_slice %arg5[%rem3A_20, %rem3A_23, %dma_start3A_30] : memref<2x32x200xi32, #tpu.memory_space<vmem>> -> memref<1x1x128xi32, #tpu.memory_space<vmem>>
    %dma_start3A_32 = tpu.memref_squeeze %dma_start3A_31 : memref<1x1x128xi32, #tpu.memory_space<vmem>> -> memref<128xi32, #tpu.memory_space<vmem>>
    %dma_start3A_33 = arith.constant 0 : i32
    %dma_start3A_34 = arith.constant 0 : i32
    %dma_start3A_35 = tpu.memref_slice %arg3[%dma_start3A_33, %dma_start3A_34] : memref<1000000x128xf32, #tpu.memory_space<hbm>> -> memref<1000000x128xf32, #tpu.memory_space<hbm>>
    %dma_start3A_36 = tpu.memref_slice %arg7[%dma_start3A_25] : memref<4x!tpu.dma_semaphore, #tpu.memory_space<semaphore_mem>> -> memref<1x!tpu.dma_semaphore, #tpu.memory_space<semaphore_mem>>
    %dma_start3A_37 = tpu.memref_squeeze %dma_start3A_36 : memref<1x!tpu.dma_semaphore, #tpu.memory_space<semaphore_mem>> -> memref<!tpu.dma_semaphore, #tpu.memory_space<semaphore_mem>>
    tpu.enqueue_indirect_dma source(%dma_start3A_35 : memref<1000000x128xf32, #tpu.memory_space<hbm>>) target(%dma_start3A_29 : memref<128x128xf32, #tpu.memory_space<vmem>>) offsets(%dma_start3A_32 : memref<128xi32, #tpu.memory_space<vmem>>) semaphore(%dma_start3A_37 : memref<!tpu.dma_semaphore, #tpu.memory_space<semaphore_mem>>)
    %dma_start3A_38 = arith.constant 0 : i32
    %dma_start3A_39 = arith.constant 0 : i32
    %dma_start3A_40 = arith.constant 128 : i32
    %dma_start3A_41 = arith.constant 0 : i32
    %dma_start3A_42 = tpu.memref_slice %arg6[%dma_start3A_38, %dma_start3A_40, %dma_start3A_41] : memref<4x200x128xf32, #tpu.memory_space<vmem>> -> memref<1x72x128xf32, #tpu.memory_space<vmem>>
    %dma_start3A_43 = tpu.memref_squeeze %dma_start3A_42 : memref<1x72x128xf32, #tpu.memory_space<vmem>> -> memref<72x128xf32, #tpu.memory_space<vmem>>
    %dma_start3A_44 = arith.constant 128 : i32
    %dma_start3A_45 = tpu.memref_slice %arg5[%rem3A_20, %rem3A_23, %dma_start3A_44] : memref<2x32x200xi32, #tpu.memory_space<vmem>> -> memref<1x1x72xi32, #tpu.memory_space<vmem>>
    %dma_start3A_46 = tpu.memref_squeeze %dma_start3A_45 : memref<1x1x72xi32, #tpu.memory_space<vmem>> -> memref<72xi32, #tpu.memory_space<vmem>>
    %dma_start3A_47 = arith.constant 0 : i32
    %dma_start3A_48 = arith.constant 0 : i32
    %dma_start3A_49 = tpu.memref_slice %arg3[%dma_start3A_47, %dma_start3A_48] : memref<1000000x128xf32, #tpu.memory_space<hbm>> -> memref<1000000x128xf32, #tpu.memory_space<hbm>>
    %dma_start3A_50 = tpu.memref_slice %arg7[%dma_start3A_39] : memref<4x!tpu.dma_semaphore, #tpu.memory_space<semaphore_mem>> -> memref<1x!tpu.dma_semaphore, #tpu.memory_space<semaphore_mem>>
    %dma_start3A_51 = tpu.memref_squeeze %dma_start3A_50 : memref<1x!tpu.dma_semaphore, #tpu.memory_space<semaphore_mem>> -> memref<!tpu.dma_semaphore, #tpu.memory_space<semaphore_mem>>
    tpu.enqueue_indirect_dma source(%dma_start3A_49 : memref<1000000x128xf32, #tpu.memory_space<hbm>>) target(%dma_start3A_43 : memref<72x128xf32, #tpu.memory_space<vmem>>) offsets(%dma_start3A_46 : memref<72xi32, #tpu.memory_space<vmem>>) semaphore(%dma_start3A_51 : memref<!tpu.dma_semaphore, #tpu.memory_space<semaphore_mem>>)
    %rem3A_52 = arith.constant 0 : i32
    %rem3A_53 = arith.constant 2 : i32
    %rem3A_54 = arith.remsi %rem3A_52, %rem3A_53 : i32
    %rem3A_55 = arith.constant 1 : i32
    %rem3A_56 = arith.constant 32 : i32
    %rem3A_57 = arith.remsi %rem3A_55, %rem3A_56 : i32
    %dma_start3A_58 = arith.constant 1 : i32
    %dma_start3A_59 = arith.constant 1 : i32
    %dma_start3A_60 = arith.constant 0 : i32
    %dma_start3A_61 = arith.constant 0 : i32
    %dma_start3A_62 = tpu.memref_slice %arg6[%dma_start3A_58, %dma_start3A_60, %dma_start3A_61] : memref<4x200x128xf32, #tpu.memory_space<vmem>> -> memref<1x128x128xf32, #tpu.memory_space<vmem>>
    %dma_start3A_63 = tpu.memref_squeeze %dma_start3A_62 : memref<1x128x128xf32, #tpu.memory_space<vmem>> -> memref<128x128xf32, #tpu.memory_space<vmem>>
    %dma_start3A_64 = arith.constant 0 : i32
    %dma_start3A_65 = tpu.memref_slice %arg5[%rem3A_54, %rem3A_57, %dma_start3A_64] : memref<2x32x200xi32, #tpu.memory_space<vmem>> -> memref<1x1x128xi32, #tpu.memory_space<vmem>>
    %dma_start3A_66 = tpu.memref_squeeze %dma_start3A_65 : memref<1x1x128xi32, #tpu.memory_space<vmem>> -> memref<128xi32, #tpu.memory_space<vmem>>
    %dma_start3A_67 = arith.constant 0 : i32
    %dma_start3A_68 = arith.constant 0 : i32
    %dma_start3A_69 = tpu.memref_slice %arg3[%dma_start3A_67, %dma_start3A_68] : memref<1000000x128xf32, #tpu.memory_space<hbm>> -> memref<1000000x128xf32, #tpu.memory_space<hbm>>
    %dma_start3A_70 = tpu.memref_slice %arg7[%dma_start3A_59] : memref<4x!tpu.dma_semaphore, #tpu.memory_space<semaphore_mem>> -> memref<1x!tpu.dma_semaphore, #tpu.memory_space<semaphore_mem>>
    %dma_start3A_71 = tpu.memref_squeeze %dma_start3A_70 : memref<1x!tpu.dma_semaphore, #tpu.memory_space<semaphore_mem>> -> memref<!tpu.dma_semaphore, #tpu.memory_space<semaphore_mem>>
    tpu.enqueue_indirect_dma source(%dma_start3A_69 : memref<1000000x128xf32, #tpu.memory_space<hbm>>) target(%dma_start3A_63 : memref<128x128xf32, #tpu.memory_space<vmem>>) offsets(%dma_start3A_66 : memref<128xi32, #tpu.memory_space<vmem>>) semaphore(%dma_start3A_71 : memref<!tpu.dma_semaphore, #tpu.memory_space<semaphore_mem>>)
    %dma_start3A_72 = arith.constant 1 : i32
    %dma_start3A_73 = arith.constant 1 : i32
    %dma_start3A_74 = arith.constant 128 : i32
    %dma_start3A_75 = arith.constant 0 : i32
    %dma_start3A_76 = tpu.memref_slice %arg6[%dma_start3A_72, %dma_start3A_74, %dma_start3A_75] : memref<4x200x128xf32, #tpu.memory_space<vmem>> -> memref<1x72x128xf32, #tpu.memory_space<vmem>>
    %dma_start3A_77 = tpu.memref_squeeze %dma_start3A_76 : memref<1x72x128xf32, #tpu.memory_space<vmem>> -> memref<72x128xf32, #tpu.memory_space<vmem>>
    %dma_start3A_78 = arith.constant 128 : i32
    %dma_start3A_79 = tpu.memref_slice %arg5[%rem3A_54, %rem3A_57, %dma_start3A_78] : memref<2x32x200xi32, #tpu.memory_space<vmem>> -> memref<1x1x72xi32, #tpu.memory_space<vmem>>
    %dma_start3A_80 = tpu.memref_squeeze %dma_start3A_79 : memref<1x1x72xi32, #tpu.memory_space<vmem>> -> memref<72xi32, #tpu.memory_space<vmem>>
    %dma_start3A_81 = arith.constant 0 : i32
    %dma_start3A_82 = arith.constant 0 : i32
    %dma_start3A_83 = tpu.memref_slice %arg3[%dma_start3A_81, %dma_start3A_82] : memref<1000000x128xf32, #tpu.memory_space<hbm>> -> memref<1000000x128xf32, #tpu.memory_space<hbm>>
    %dma_start3A_84 = tpu.memref_slice %arg7[%dma_start3A_73] : memref<4x!tpu.dma_semaphore, #tpu.memory_space<semaphore_mem>> -> memref<1x!tpu.dma_semaphore, #tpu.memory_space<semaphore_mem>>
    %dma_start3A_85 = tpu.memref_squeeze %dma_start3A_84 : memref<1x!tpu.dma_semaphore, #tpu.memory_space<semaphore_mem>> -> memref<!tpu.dma_semaphore, #tpu.memory_space<semaphore_mem>>
    tpu.enqueue_indirect_dma source(%dma_start3A_83 : memref<1000000x128xf32, #tpu.memory_space<hbm>>) target(%dma_start3A_77 : memref<72x128xf32, #tpu.memory_space<vmem>>) offsets(%dma_start3A_80 : memref<72xi32, #tpu.memory_space<vmem>>) semaphore(%dma_start3A_85 : memref<!tpu.dma_semaphore, #tpu.memory_space<semaphore_mem>>)
    %scan3A = arith.constant 0 : i32
    %scan3A_86 = arith.constant 0 : i32
    %scan3A_87 = arith.constant 128 : i32
    %scan3A_88 = arith.addi %scan3A_86, %scan3A_87 : i32
    %scan3A_89 = arith.constant 1 : i32
    scf.for %scan3A_134 = %scan3A_86 to %scan3A_88 step %scan3A_89  : i32 {
      %mul3A_135 = arith.constant 4 : i32
      %mul3A_136 = arith.muli %mul3A_135, %scan3A_134 : i32
      %add3A_137 = arith.constant 0 : i32
      %add3A_138 = arith.addi %mul3A_136, %add3A_137 : i32
      %ge3A = arith.constant 2 : i32
      %ge3A_139 = arith.cmpi sge, %add3A_138, %ge3A : i32
      %convert_element_type3A = arith.extui %ge3A_139 : i1 to i32
      %cond3A = arith.constant 0 : i32
      %cond3A_140 = arith.cmpi ne, %convert_element_type3A, %cond3A : i32
      scf.if %cond3A_140 {
        %sub3A_639 = arith.constant 2 : i32
        %sub3A_640 = arith.subi %add3A_138, %sub3A_639 : i32
        %add3A_641 = arith.addi %mul3A_2, %sub3A_640 : i32
        %dma_wait3A_642 = arith.constant 2 : i32
        %dma_wait3A_643 = arith.constant 2 : i32
        %dma_wait3A_644 = arith.constant 0 : i32
        %dma_wait3A_645 = arith.constant 0 : i32
        %dma_wait3A_646 = tpu.memref_slice %arg6[%dma_wait3A_642, %dma_wait3A_644, %dma_wait3A_645] : memref<4x200x128xf32, #tpu.memory_space<vmem>> -> memref<1x200x128xf32, #tpu.memory_space<vmem>>
        %dma_wait3A_647 = tpu.memref_squeeze %dma_wait3A_646 : memref<1x200x128xf32, #tpu.memory_space<vmem>> -> memref<200x128xf32, #tpu.memory_space<vmem>>
        %dma_wait3A_648 = arith.constant 0 : i32
        %dma_wait3A_649 = arith.constant 0 : i32
        %dma_wait3A_650 = tpu.memref_slice %arg4[%add3A_641, %dma_wait3A_648, %dma_wait3A_649] : memref<16384x200x128xf32, #tpu.memory_space<hbm>> -> memref<1x200x128xf32, #tpu.memory_space<hbm>>
        %dma_wait3A_651 = tpu.memref_squeeze %dma_wait3A_650 : memref<1x200x128xf32, #tpu.memory_space<hbm>> -> memref<200x128xf32, #tpu.memory_space<hbm>>
        %dma_wait3A_652 = tpu.memref_slice %arg8[%dma_wait3A_643] : memref<4x!tpu.dma_semaphore, #tpu.memory_space<semaphore_mem>> -> memref<1x!tpu.dma_semaphore, #tpu.memory_space<semaphore_mem>>
        %dma_wait3A_653 = tpu.memref_squeeze %dma_wait3A_652 : memref<1x!tpu.dma_semaphore, #tpu.memory_space<semaphore_mem>> -> memref<!tpu.dma_semaphore, #tpu.memory_space<semaphore_mem>>
        %dma_wait3A_654 = arith.constant 0 : i32
        %dma_wait3A_655 = arith.constant 0 : i32
        %dma_wait3A_656 = tpu.memref_slice %arg4[%add3A_641, %dma_wait3A_654, %dma_wait3A_655] : memref<16384x200x128xf32, #tpu.memory_space<hbm>> -> memref<1x200x128xf32, #tpu.memory_space<hbm>>
        %dma_wait3A_657 = tpu.memref_squeeze %dma_wait3A_656 : memref<1x200x128xf32, #tpu.memory_space<hbm>> -> memref<200x128xf32, #tpu.memory_space<hbm>>
        %dma_wait3A_658 = arith.constant 0 : i32
        %dma_wait3A_659 = arith.constant 0 : i32
        %dma_wait3A_660 = tpu.memref_slice %arg6[%dma_wait3A_642, %dma_wait3A_658, %dma_wait3A_659] : memref<4x200x128xf32, #tpu.memory_space<vmem>> -> memref<1x200x128xf32, #tpu.memory_space<vmem>>
        %dma_wait3A_661 = tpu.memref_squeeze %dma_wait3A_660 : memref<1x200x128xf32, #tpu.memory_space<vmem>> -> memref<200x128xf32, #tpu.memory_space<vmem>>
        tpu.wait_dma2 semaphore(%dma_wait3A_653 : memref<!tpu.dma_semaphore, #tpu.memory_space<semaphore_mem>>) src(%dma_wait3A_661 : memref<200x128xf32, #tpu.memory_space<vmem>>) dst(%dma_wait3A_657 : memref<200x128xf32, #tpu.memory_space<hbm>>)
      } else {
      }
      %add3A_141 = arith.constant 2 : i32
      %add3A_142 = arith.addi %add3A_138, %add3A_141 : i32
      %lt3A = arith.constant 512 : i32
      %lt3A_143 = arith.cmpi slt, %add3A_142, %lt3A : i32
      %convert_element_type3A_144 = arith.extui %lt3A_143 : i1 to i32
      %cond3A_145 = arith.constant 0 : i32
      %cond3A_146 = arith.cmpi ne, %convert_element_type3A_144, %cond3A_145 : i32
      scf.if %cond3A_146 {
        %rem3A_639 = arith.constant 32 : i32
        %rem3A_640 = arith.remsi %add3A_142, %rem3A_639 : i32
        %eq3A_641 = arith.constant 0 : i32
        %eq3A_642 = arith.cmpi eq, %rem3A_640, %eq3A_641 : i32
        %convert_element_type3A_643 = arith.extui %eq3A_642 : i1 to i32
        %cond3A_644 = arith.constant 0 : i32
        %cond3A_645 = arith.cmpi ne, %convert_element_type3A_643, %cond3A_644 : i32
        scf.if %cond3A_645 {
          %jit3A_702 = arith.constant 32 : i32
          %div3A_703 = arith.divsi %add3A_142, %jit3A_702 : i32
          %sign3A_704 = arith.constant 0 : i32
          %sign3A_705 = arith.cmpi sgt, %add3A_142, %sign3A_704 : i32
          %sign3A_706 = arith.extui %sign3A_705 : i1 to i32
          %sign3A_707 = arith.constant 0 : i32
          %sign3A_708 = arith.cmpi slt, %add3A_142, %sign3A_707 : i32
          %sign3A_709 = arith.extui %sign3A_708 : i1 to i32
          %sign3A_710 = arith.subi %sign3A_706, %sign3A_709 : i32
          %sign3A_711 = arith.constant 0 : i32
          %sign3A_712 = arith.cmpi sgt, %jit3A_702, %sign3A_711 : i32
          %sign3A_713 = arith.extui %sign3A_712 : i1 to i32
          %sign3A_714 = arith.constant 0 : i32
          %sign3A_715 = arith.cmpi slt, %jit3A_702, %sign3A_714 : i32
          %sign3A_716 = arith.extui %sign3A_715 : i1 to i32
          %sign3A_717 = arith.subi %sign3A_713, %sign3A_716 : i32
          %ne3A_718 = arith.cmpi ne, %sign3A_710, %sign3A_717 : i32
          %rem3A_719 = arith.remsi %add3A_142, %jit3A_702 : i32
          %ne3A_720 = arith.constant 0 : i32
          %ne3A_721 = arith.cmpi ne, %rem3A_719, %ne3A_720 : i32
          %and3A_722 = arith.andi %ne3A_718, %ne3A_721 : i1
          %sub3A_723 = arith.constant 1 : i32
          %sub3A_724 = arith.subi %div3A_703, %sub3A_723 : i32
          %select_n3A_725 = arith.select %and3A_722, %sub3A_724, %div3A_703 : i32
          %mul3A_726 = arith.constant 32 : i32
          %mul3A_727 = arith.muli %select_n3A_725, %mul3A_726 : i32
          %add3A_728 = arith.addi %mul3A_2, %mul3A_727 : i32
          %rem3A_729 = arith.constant 2 : i32
          %rem3A_730 = arith.remsi %select_n3A_725, %rem3A_729 : i32
          %dma_wait3A_731 = arith.constant 0 : i32
          %dma_wait3A_732 = arith.constant 0 : i32
          %dma_wait3A_733 = tpu.memref_slice %arg5[%rem3A_730, %dma_wait3A_731, %dma_wait3A_732] : memref<2x32x200xi32, #tpu.memory_space<vmem>> -> memref<1x32x200xi32, #tpu.memory_space<vmem>>
          %dma_wait3A_734 = tpu.memref_squeeze %dma_wait3A_733 : memref<1x32x200xi32, #tpu.memory_space<vmem>> -> memref<32x200xi32, #tpu.memory_space<vmem>>
          %dma_wait3A_735 = arith.constant 0 : i32
          %dma_wait3A_736 = tpu.memref_slice %arg2[%add3A_728, %dma_wait3A_735] : memref<16384x200xi32, #tpu.memory_space<hbm>> -> memref<32x200xi32, #tpu.memory_space<hbm>>
          %dma_wait3A_737 = arith.constant 0 : i32
          %dma_wait3A_738 = arith.constant 0 : i32
          %dma_wait3A_739 = tpu.memref_slice %arg5[%rem3A_730, %dma_wait3A_737, %dma_wait3A_738] : memref<2x32x200xi32, #tpu.memory_space<vmem>> -> memref<1x32x200xi32, #tpu.memory_space<vmem>>
          %dma_wait3A_740 = tpu.memref_squeeze %dma_wait3A_739 : memref<1x32x200xi32, #tpu.memory_space<vmem>> -> memref<32x200xi32, #tpu.memory_space<vmem>>
          %dma_wait3A_741 = arith.constant 0 : i32
          %dma_wait3A_742 = tpu.memref_slice %arg2[%add3A_728, %dma_wait3A_741] : memref<16384x200xi32, #tpu.memory_space<hbm>> -> memref<32x200xi32, #tpu.memory_space<hbm>>
          tpu.wait_dma2 semaphore(%arg9 : memref<!tpu.dma_semaphore, #tpu.memory_space<semaphore_mem>>) src(%dma_wait3A_742 : memref<32x200xi32, #tpu.memory_space<hbm>>) dst(%dma_wait3A_740 : memref<32x200xi32, #tpu.memory_space<vmem>>)
        } else {
        }
        %jit3A_646 = arith.constant 32 : i32
        %div3A_647 = arith.divsi %add3A_142, %jit3A_646 : i32
        %sign3A_648 = arith.constant 0 : i32
        %sign3A_649 = arith.cmpi sgt, %add3A_142, %sign3A_648 : i32
        %sign3A_650 = arith.extui %sign3A_649 : i1 to i32
        %sign3A_651 = arith.constant 0 : i32
        %sign3A_652 = arith.cmpi slt, %add3A_142, %sign3A_651 : i32
        %sign3A_653 = arith.extui %sign3A_652 : i1 to i32
        %sign3A_654 = arith.subi %sign3A_650, %sign3A_653 : i32
        %sign3A_655 = arith.constant 0 : i32
        %sign3A_656 = arith.cmpi sgt, %jit3A_646, %sign3A_655 : i32
        %sign3A_657 = arith.extui %sign3A_656 : i1 to i32
        %sign3A_658 = arith.constant 0 : i32
        %sign3A_659 = arith.cmpi slt, %jit3A_646, %sign3A_658 : i32
        %sign3A_660 = arith.extui %sign3A_659 : i1 to i32
        %sign3A_661 = arith.subi %sign3A_657, %sign3A_660 : i32
        %ne3A_662 = arith.cmpi ne, %sign3A_654, %sign3A_661 : i32
        %rem3A_663 = arith.remsi %add3A_142, %jit3A_646 : i32
        %ne3A_664 = arith.constant 0 : i32
        %ne3A_665 = arith.cmpi ne, %rem3A_663, %ne3A_664 : i32
        %and3A_666 = arith.andi %ne3A_662, %ne3A_665 : i1
        %sub3A_667 = arith.constant 1 : i32
        %sub3A_668 = arith.subi %div3A_647, %sub3A_667 : i32
        %select_n3A_669 = arith.select %and3A_666, %sub3A_668, %div3A_647 : i32
        %rem3A_670 = arith.constant 2 : i32
        %rem3A_671 = arith.remsi %select_n3A_669, %rem3A_670 : i32
        %rem3A_672 = arith.constant 32 : i32
        %rem3A_673 = arith.remsi %add3A_142, %rem3A_672 : i32
        %dma_start3A_674 = arith.constant 2 : i32
        %dma_start3A_675 = arith.constant 2 : i32
        %dma_start3A_676 = arith.constant 0 : i32
        %dma_start3A_677 = arith.constant 0 : i32
        %dma_start3A_678 = tpu.memref_slice %arg6[%dma_start3A_674, %dma_start3A_676, %dma_start3A_677] : memref<4x200x128xf32, #tpu.memory_space<vmem>> -> memref<1x128x128xf32, #tpu.memory_space<vmem>>
        %dma_start3A_679 = tpu.memref_squeeze %dma_start3A_678 : memref<1x128x128xf32, #tpu.memory_space<vmem>> -> memref<128x128xf32, #tpu.memory_space<vmem>>
        %dma_start3A_680 = arith.constant 0 : i32
        %dma_start3A_681 = tpu.memref_slice %arg5[%rem3A_671, %rem3A_673, %dma_start3A_680] : memref<2x32x200xi32, #tpu.memory_space<vmem>> -> memref<1x1x128xi32, #tpu.memory_space<vmem>>
        %dma_start3A_682 = tpu.memref_squeeze %dma_start3A_681 : memref<1x1x128xi32, #tpu.memory_space<vmem>> -> memref<128xi32, #tpu.memory_space<vmem>>
        %dma_start3A_683 = arith.constant 0 : i32
        %dma_start3A_684 = arith.constant 0 : i32
        %dma_start3A_685 = tpu.memref_slice %arg3[%dma_start3A_683, %dma_start3A_684] : memref<1000000x128xf32, #tpu.memory_space<hbm>> -> memref<1000000x128xf32, #tpu.memory_space<hbm>>
        %dma_start3A_686 = tpu.memref_slice %arg7[%dma_start3A_675] : memref<4x!tpu.dma_semaphore, #tpu.memory_space<semaphore_mem>> -> memref<1x!tpu.dma_semaphore, #tpu.memory_space<semaphore_mem>>
        %dma_start3A_687 = tpu.memref_squeeze %dma_start3A_686 : memref<1x!tpu.dma_semaphore, #tpu.memory_space<semaphore_mem>> -> memref<!tpu.dma_semaphore, #tpu.memory_space<semaphore_mem>>
        tpu.enqueue_indirect_dma source(%dma_start3A_685 : memref<1000000x128xf32, #tpu.memory_space<hbm>>) target(%dma_start3A_679 : memref<128x128xf32, #tpu.memory_space<vmem>>) offsets(%dma_start3A_682 : memref<128xi32, #tpu.memory_space<vmem>>) semaphore(%dma_start3A_687 : memref<!tpu.dma_semaphore, #tpu.memory_space<semaphore_mem>>)
        %dma_start3A_688 = arith.constant 2 : i32
        %dma_start3A_689 = arith.constant 2 : i32
        %dma_start3A_690 = arith.constant 128 : i32
        %dma_start3A_691 = arith.constant 0 : i32
        %dma_start3A_692 = tpu.memref_slice %arg6[%dma_start3A_688, %dma_start3A_690, %dma_start3A_691] : memref<4x200x128xf32, #tpu.memory_space<vmem>> -> memref<1x72x128xf32, #tpu.memory_space<vmem>>
        %dma_start3A_693 = tpu.memref_squeeze %dma_start3A_692 : memref<1x72x128xf32, #tpu.memory_space<vmem>> -> memref<72x128xf32, #tpu.memory_space<vmem>>
        %dma_start3A_694 = arith.constant 128 : i32
        %dma_start3A_695 = tpu.memref_slice %arg5[%rem3A_671, %rem3A_673, %dma_start3A_694] : memref<2x32x200xi32, #tpu.memory_space<vmem>> -> memref<1x1x72xi32, #tpu.memory_space<vmem>>
        %dma_start3A_696 = tpu.memref_squeeze %dma_start3A_695 : memref<1x1x72xi32, #tpu.memory_space<vmem>> -> memref<72xi32, #tpu.memory_space<vmem>>
        %dma_start3A_697 = arith.constant 0 : i32
        %dma_start3A_698 = arith.constant 0 : i32
        %dma_start3A_699 = tpu.memref_slice %arg3[%dma_start3A_697, %dma_start3A_698] : memref<1000000x128xf32, #tpu.memory_space<hbm>> -> memref<1000000x128xf32, #tpu.memory_space<hbm>>
        %dma_start3A_700 = tpu.memref_slice %arg7[%dma_start3A_689] : memref<4x!tpu.dma_semaphore, #tpu.memory_space<semaphore_mem>> -> memref<1x!tpu.dma_semaphore, #tpu.memory_space<semaphore_mem>>
        %dma_start3A_701 = tpu.memref_squeeze %dma_start3A_700 : memref<1x!tpu.dma_semaphore, #tpu.memory_space<semaphore_mem>> -> memref<!tpu.dma_semaphore, #tpu.memory_space<semaphore_mem>>
        tpu.enqueue_indirect_dma source(%dma_start3A_699 : memref<1000000x128xf32, #tpu.memory_space<hbm>>) target(%dma_start3A_693 : memref<72x128xf32, #tpu.memory_space<vmem>>) offsets(%dma_start3A_696 : memref<72xi32, #tpu.memory_space<vmem>>) semaphore(%dma_start3A_701 : memref<!tpu.dma_semaphore, #tpu.memory_space<semaphore_mem>>)
      } else {
      }
      %jit3A = arith.constant 32 : i32
      %div3A = arith.divsi %add3A_138, %jit3A : i32
      %sign3A = arith.constant 0 : i32
      %sign3A_147 = arith.cmpi sgt, %add3A_138, %sign3A : i32
      %sign3A_148 = arith.extui %sign3A_147 : i1 to i32
      %sign3A_149 = arith.constant 0 : i32
      %sign3A_150 = arith.cmpi slt, %add3A_138, %sign3A_149 : i32
      %sign3A_151 = arith.extui %sign3A_150 : i1 to i32
      %sign3A_152 = arith.subi %sign3A_148, %sign3A_151 : i32
      %sign3A_153 = arith.constant 0 : i32
      %sign3A_154 = arith.cmpi sgt, %jit3A, %sign3A_153 : i32
      %sign3A_155 = arith.extui %sign3A_154 : i1 to i32
      %sign3A_156 = arith.constant 0 : i32
      %sign3A_157 = arith.cmpi slt, %jit3A, %sign3A_156 : i32
      %sign3A_158 = arith.extui %sign3A_157 : i1 to i32
      %sign3A_159 = arith.subi %sign3A_155, %sign3A_158 : i32
      %ne3A = arith.cmpi ne, %sign3A_152, %sign3A_159 : i32
      %rem3A_160 = arith.remsi %add3A_138, %jit3A : i32
      %ne3A_161 = arith.constant 0 : i32
      %ne3A_162 = arith.cmpi ne, %rem3A_160, %ne3A_161 : i32
      %and3A = arith.andi %ne3A, %ne3A_162 : i1
      %sub3A = arith.constant 1 : i32
      %sub3A_163 = arith.subi %div3A, %sub3A : i32
      %select_n3A = arith.select %and3A, %sub3A_163, %div3A : i32
      %rem3A_164 = arith.constant 2 : i32
      %rem3A_165 = arith.remsi %select_n3A, %rem3A_164 : i32
      %rem3A_166 = arith.constant 32 : i32
      %rem3A_167 = arith.remsi %add3A_138, %rem3A_166 : i32
      %dma_wait3A_168 = arith.constant 0 : i32
      %dma_wait3A_169 = arith.constant 0 : i32
      %dma_wait3A_170 = arith.constant 0 : i32
      %dma_wait3A_171 = arith.constant 0 : i32
      %dma_wait3A_172 = tpu.memref_slice %arg6[%dma_wait3A_168, %dma_wait3A_170, %dma_wait3A_171] : memref<4x200x128xf32, #tpu.memory_space<vmem>> -> memref<1x128x128xf32, #tpu.memory_space<vmem>>
      %dma_wait3A_173 = tpu.memref_squeeze %dma_wait3A_172 : memref<1x128x128xf32, #tpu.memory_space<vmem>> -> memref<128x128xf32, #tpu.memory_space<vmem>>
      %dma_wait3A_174 = arith.constant 0 : i32
      %dma_wait3A_175 = tpu.memref_slice %arg5[%rem3A_165, %rem3A_167, %dma_wait3A_174] : memref<2x32x200xi32, #tpu.memory_space<vmem>> -> memref<1x1x128xi32, #tpu.memory_space<vmem>>
      %dma_wait3A_176 = tpu.memref_squeeze %dma_wait3A_175 : memref<1x1x128xi32, #tpu.memory_space<vmem>> -> memref<128xi32, #tpu.memory_space<vmem>>
      %dma_wait3A_177 = arith.constant 0 : i32
      %dma_wait3A_178 = arith.constant 0 : i32
      %dma_wait3A_179 = tpu.memref_slice %arg3[%dma_wait3A_177, %dma_wait3A_178] : memref<1000000x128xf32, #tpu.memory_space<hbm>> -> memref<1000000x128xf32, #tpu.memory_space<hbm>>
      %dma_wait3A_180 = tpu.memref_slice %arg7[%dma_wait3A_169] : memref<4x!tpu.dma_semaphore, #tpu.memory_space<semaphore_mem>> -> memref<1x!tpu.dma_semaphore, #tpu.memory_space<semaphore_mem>>
      %dma_wait3A_181 = tpu.memref_squeeze %dma_wait3A_180 : memref<1x!tpu.dma_semaphore, #tpu.memory_space<semaphore_mem>> -> memref<!tpu.dma_semaphore, #tpu.memory_space<semaphore_mem>>
      tpu.wait_indirect_dma semaphore(%dma_wait3A_181 : memref<!tpu.dma_semaphore, #tpu.memory_space<semaphore_mem>>) src(%dma_wait3A_179 : memref<1000000x128xf32, #tpu.memory_space<hbm>>) dst(%dma_wait3A_173 : memref<128x128xf32, #tpu.memory_space<vmem>>)
      %dma_wait3A_182 = arith.constant 0 : i32
      %dma_wait3A_183 = arith.constant 0 : i32
      %dma_wait3A_184 = arith.constant 128 : i32
      %dma_wait3A_185 = arith.constant 0 : i32
      %dma_wait3A_186 = tpu.memref_slice %arg6[%dma_wait3A_182, %dma_wait3A_184, %dma_wait3A_185] : memref<4x200x128xf32, #tpu.memory_space<vmem>> -> memref<1x72x128xf32, #tpu.memory_space<vmem>>
      %dma_wait3A_187 = tpu.memref_squeeze %dma_wait3A_186 : memref<1x72x128xf32, #tpu.memory_space<vmem>> -> memref<72x128xf32, #tpu.memory_space<vmem>>
      %dma_wait3A_188 = arith.constant 128 : i32
      %dma_wait3A_189 = tpu.memref_slice %arg5[%rem3A_165, %rem3A_167, %dma_wait3A_188] : memref<2x32x200xi32, #tpu.memory_space<vmem>> -> memref<1x1x72xi32, #tpu.memory_space<vmem>>
      %dma_wait3A_190 = tpu.memref_squeeze %dma_wait3A_189 : memref<1x1x72xi32, #tpu.memory_space<vmem>> -> memref<72xi32, #tpu.memory_space<vmem>>
      %dma_wait3A_191 = arith.constant 0 : i32
      %dma_wait3A_192 = arith.constant 0 : i32
      %dma_wait3A_193 = tpu.memref_slice %arg3[%dma_wait3A_191, %dma_wait3A_192] : memref<1000000x128xf32, #tpu.memory_space<hbm>> -> memref<1000000x128xf32, #tpu.memory_space<hbm>>
      %dma_wait3A_194 = tpu.memref_slice %arg7[%dma_wait3A_183] : memref<4x!tpu.dma_semaphore, #tpu.memory_space<semaphore_mem>> -> memref<1x!tpu.dma_semaphore, #tpu.memory_space<semaphore_mem>>
      %dma_wait3A_195 = tpu.memref_squeeze %dma_wait3A_194 : memref<1x!tpu.dma_semaphore, #tpu.memory_space<semaphore_mem>> -> memref<!tpu.dma_semaphore, #tpu.memory_space<semaphore_mem>>
      tpu.wait_indirect_dma semaphore(%dma_wait3A_195 : memref<!tpu.dma_semaphore, #tpu.memory_space<semaphore_mem>>) src(%dma_wait3A_193 : memref<1000000x128xf32, #tpu.memory_space<hbm>>) dst(%dma_wait3A_187 : memref<72x128xf32, #tpu.memory_space<vmem>>)
      %add3A_196 = arith.addi %mul3A_2, %add3A_138 : i32
      %dma_start3A_197 = arith.constant 0 : i32
      %dma_start3A_198 = arith.constant 0 : i32
      %dma_start3A_199 = arith.constant 0 : i32
      %dma_start3A_200 = arith.constant 0 : i32
      %dma_start3A_201 = tpu.memref_slice %arg6[%dma_start3A_197, %dma_start3A_199, %dma_start3A_200] : memref<4x200x128xf32, #tpu.memory_space<vmem>> -> memref<1x200x128xf32, #tpu.memory_space<vmem>>
      %dma_start3A_202 = tpu.memref_squeeze %dma_start3A_201 : memref<1x200x128xf32, #tpu.memory_space<vmem>> -> memref<200x128xf32, #tpu.memory_space<vmem>>
      %dma_start3A_203 = arith.constant 0 : i32
      %dma_start3A_204 = arith.constant 0 : i32
      %dma_start3A_205 = tpu.memref_slice %arg4[%add3A_196, %dma_start3A_203, %dma_start3A_204] : memref<16384x200x128xf32, #tpu.memory_space<hbm>> -> memref<1x200x128xf32, #tpu.memory_space<hbm>>
      %dma_start3A_206 = tpu.memref_squeeze %dma_start3A_205 : memref<1x200x128xf32, #tpu.memory_space<hbm>> -> memref<200x128xf32, #tpu.memory_space<hbm>>
      %dma_start3A_207 = tpu.memref_slice %arg8[%dma_start3A_198] : memref<4x!tpu.dma_semaphore, #tpu.memory_space<semaphore_mem>> -> memref<1x!tpu.dma_semaphore, #tpu.memory_space<semaphore_mem>>
      %dma_start3A_208 = tpu.memref_squeeze %dma_start3A_207 : memref<1x!tpu.dma_semaphore, #tpu.memory_space<semaphore_mem>> -> memref<!tpu.dma_semaphore, #tpu.memory_space<semaphore_mem>>
      %dma_start3A_209 = arith.constant 0 : i32
      %dma_start3A_210 = arith.constant 0 : i32
      %dma_start3A_211 = tpu.memref_slice %arg4[%add3A_196, %dma_start3A_209, %dma_start3A_210] : memref<16384x200x128xf32, #tpu.memory_space<hbm>> -> memref<1x200x128xf32, #tpu.memory_space<hbm>>
      %dma_start3A_212 = tpu.memref_squeeze %dma_start3A_211 : memref<1x200x128xf32, #tpu.memory_space<hbm>> -> memref<200x128xf32, #tpu.memory_space<hbm>>
      %dma_start3A_213 = arith.constant 0 : i32
      %dma_start3A_214 = arith.constant 0 : i32
      %dma_start3A_215 = tpu.memref_slice %arg6[%dma_start3A_197, %dma_start3A_213, %dma_start3A_214] : memref<4x200x128xf32, #tpu.memory_space<vmem>> -> memref<1x200x128xf32, #tpu.memory_space<vmem>>
      %dma_start3A_216 = tpu.memref_squeeze %dma_start3A_215 : memref<1x200x128xf32, #tpu.memory_space<vmem>> -> memref<200x128xf32, #tpu.memory_space<vmem>>
      tpu.enqueue_dma source(%dma_start3A_216 : memref<200x128xf32, #tpu.memory_space<vmem>>) target(%dma_start3A_212 : memref<200x128xf32, #tpu.memory_space<hbm>>) target_semaphore(%dma_start3A_208 : memref<!tpu.dma_semaphore, #tpu.memory_space<semaphore_mem>>)
      %rem3A_217 = arith.constant 32 : i32
      %rem3A_218 = arith.remsi %add3A_138, %rem3A_217 : i32
      %eq3A = arith.constant 31 : i32
      %eq3A_219 = arith.cmpi eq, %rem3A_218, %eq3A : i32
      %jit3A_220 = arith.constant 32 : i32
      %div3A_221 = arith.divsi %add3A_138, %jit3A_220 : i32
      %sign3A_222 = arith.constant 0 : i32
      %sign3A_223 = arith.cmpi sgt, %add3A_138, %sign3A_222 : i32
      %sign3A_224 = arith.extui %sign3A_223 : i1 to i32
      %sign3A_225 = arith.constant 0 : i32
      %sign3A_226 = arith.cmpi slt, %add3A_138, %sign3A_225 : i32
      %sign3A_227 = arith.extui %sign3A_226 : i1 to i32
      %sign3A_228 = arith.subi %sign3A_224, %sign3A_227 : i32
      %sign3A_229 = arith.constant 0 : i32
      %sign3A_230 = arith.cmpi sgt, %jit3A_220, %sign3A_229 : i32
      %sign3A_231 = arith.extui %sign3A_230 : i1 to i32
      %sign3A_232 = arith.constant 0 : i32
      %sign3A_233 = arith.cmpi slt, %jit3A_220, %sign3A_232 : i32
      %sign3A_234 = arith.extui %sign3A_233 : i1 to i32
      %sign3A_235 = arith.subi %sign3A_231, %sign3A_234 : i32
      %ne3A_236 = arith.cmpi ne, %sign3A_228, %sign3A_235 : i32
      %rem3A_237 = arith.remsi %add3A_138, %jit3A_220 : i32
      %ne3A_238 = arith.constant 0 : i32
      %ne3A_239 = arith.cmpi ne, %rem3A_237, %ne3A_238 : i32
      %and3A_240 = arith.andi %ne3A_236, %ne3A_239 : i1
      %sub3A_241 = arith.constant 1 : i32
      %sub3A_242 = arith.subi %div3A_221, %sub3A_241 : i32
      %select_n3A_243 = arith.select %and3A_240, %sub3A_242, %div3A_221 : i32
      %add3A_244 = arith.constant 2 : i32
      %add3A_245 = arith.addi %select_n3A_243, %add3A_244 : i32
      %lt3A_246 = arith.constant 16 : i32
      %lt3A_247 = arith.cmpi slt, %add3A_245, %lt3A_246 : i32
      %and3A_248 = arith.andi %eq3A_219, %lt3A_247 : i1
      %convert_element_type3A_249 = arith.extui %and3A_248 : i1 to i32
      %cond3A_250 = arith.constant 0 : i32
      %cond3A_251 = arith.cmpi ne, %convert_element_type3A_249, %cond3A_250 : i32
      scf.if %cond3A_251 {
        %jit3A_639 = arith.constant 32 : i32
        %div3A_640 = arith.divsi %add3A_138, %jit3A_639 : i32
        %sign3A_641 = arith.constant 0 : i32
        %sign3A_642 = arith.cmpi sgt, %add3A_138, %sign3A_641 : i32
        %sign3A_643 = arith.extui %sign3A_642 : i1 to i32
        %sign3A_644 = arith.constant 0 : i32
        %sign3A_645 = arith.cmpi slt, %add3A_138, %sign3A_644 : i32
        %sign3A_646 = arith.extui %sign3A_645 : i1 to i32
        %sign3A_647 = arith.subi %sign3A_643, %sign3A_646 : i32
        %sign3A_648 = arith.constant 0 : i32
        %sign3A_649 = arith.cmpi sgt, %jit3A_639, %sign3A_648 : i32
        %sign3A_650 = arith.extui %sign3A_649 : i1 to i32
        %sign3A_651 = arith.constant 0 : i32
        %sign3A_652 = arith.cmpi slt, %jit3A_639, %sign3A_651 : i32
        %sign3A_653 = arith.extui %sign3A_652 : i1 to i32
        %sign3A_654 = arith.subi %sign3A_650, %sign3A_653 : i32
        %ne3A_655 = arith.cmpi ne, %sign3A_647, %sign3A_654 : i32
        %rem3A_656 = arith.remsi %add3A_138, %jit3A_639 : i32
        %ne3A_657 = arith.constant 0 : i32
        %ne3A_658 = arith.cmpi ne, %rem3A_656, %ne3A_657 : i32
        %and3A_659 = arith.andi %ne3A_655, %ne3A_658 : i1
        %sub3A_660 = arith.constant 1 : i32
        %sub3A_661 = arith.subi %div3A_640, %sub3A_660 : i32
        %select_n3A_662 = arith.select %and3A_659, %sub3A_661, %div3A_640 : i32
        %add3A_663 = arith.constant 2 : i32
        %add3A_664 = arith.addi %select_n3A_662, %add3A_663 : i32
        %mul3A_665 = arith.constant 32 : i32
        %mul3A_666 = arith.muli %add3A_664, %mul3A_665 : i32
        %add3A_667 = arith.addi %mul3A_2, %mul3A_666 : i32
        %rem3A_668 = arith.constant 2 : i32
        %rem3A_669 = arith.remsi %add3A_664, %rem3A_668 : i32
        %dma_start3A_670 = arith.constant 0 : i32
        %dma_start3A_671 = arith.constant 0 : i32
        %dma_start3A_672 = tpu.memref_slice %arg5[%rem3A_669, %dma_start3A_670, %dma_start3A_671] : memref<2x32x200xi32, #tpu.memory_space<vmem>> -> memref<1x32x200xi32, #tpu.memory_space<vmem>>
        %dma_start3A_673 = tpu.memref_squeeze %dma_start3A_672 : memref<1x32x200xi32, #tpu.memory_space<vmem>> -> memref<32x200xi32, #tpu.memory_space<vmem>>
        %dma_start3A_674 = arith.constant 0 : i32
        %dma_start3A_675 = tpu.memref_slice %arg2[%add3A_667, %dma_start3A_674] : memref<16384x200xi32, #tpu.memory_space<hbm>> -> memref<32x200xi32, #tpu.memory_space<hbm>>
        %dma_start3A_676 = arith.constant 0 : i32
        %dma_start3A_677 = arith.constant 0 : i32
        %dma_start3A_678 = tpu.memref_slice %arg5[%rem3A_669, %dma_start3A_676, %dma_start3A_677] : memref<2x32x200xi32, #tpu.memory_space<vmem>> -> memref<1x32x200xi32, #tpu.memory_space<vmem>>
        %dma_start3A_679 = tpu.memref_squeeze %dma_start3A_678 : memref<1x32x200xi32, #tpu.memory_space<vmem>> -> memref<32x200xi32, #tpu.memory_space<vmem>>
        %dma_start3A_680 = arith.constant 0 : i32
        %dma_start3A_681 = tpu.memref_slice %arg2[%add3A_667, %dma_start3A_680] : memref<16384x200xi32, #tpu.memory_space<hbm>> -> memref<32x200xi32, #tpu.memory_space<hbm>>
        tpu.enqueue_dma source(%dma_start3A_681 : memref<32x200xi32, #tpu.memory_space<hbm>>) target(%dma_start3A_679 : memref<32x200xi32, #tpu.memory_space<vmem>>) target_semaphore(%arg9 : memref<!tpu.dma_semaphore, #tpu.memory_space<semaphore_mem>>)
      } else {
      }
      %mul3A_252 = arith.constant 4 : i32
      %mul3A_253 = arith.muli %mul3A_252, %scan3A_134 : i32
      %add3A_254 = arith.constant 1 : i32
      %add3A_255 = arith.addi %mul3A_253, %add3A_254 : i32
      %ge3A_256 = arith.constant 2 : i32
      %ge3A_257 = arith.cmpi sge, %add3A_255, %ge3A_256 : i32
      %convert_element_type3A_258 = arith.extui %ge3A_257 : i1 to i32
      %cond3A_259 = arith.constant 0 : i32
      %cond3A_260 = arith.cmpi ne, %convert_element_type3A_258, %cond3A_259 : i32
      scf.if %cond3A_260 {
        %sub3A_639 = arith.constant 2 : i32
        %sub3A_640 = arith.subi %add3A_255, %sub3A_639 : i32
        %add3A_641 = arith.addi %mul3A_2, %sub3A_640 : i32
        %dma_wait3A_642 = arith.constant 3 : i32
        %dma_wait3A_643 = arith.constant 3 : i32
        %dma_wait3A_644 = arith.constant 0 : i32
        %dma_wait3A_645 = arith.constant 0 : i32
        %dma_wait3A_646 = tpu.memref_slice %arg6[%dma_wait3A_642, %dma_wait3A_644, %dma_wait3A_645] : memref<4x200x128xf32, #tpu.memory_space<vmem>> -> memref<1x200x128xf32, #tpu.memory_space<vmem>>
        %dma_wait3A_647 = tpu.memref_squeeze %dma_wait3A_646 : memref<1x200x128xf32, #tpu.memory_space<vmem>> -> memref<200x128xf32, #tpu.memory_space<vmem>>
        %dma_wait3A_648 = arith.constant 0 : i32
        %dma_wait3A_649 = arith.constant 0 : i32
        %dma_wait3A_650 = tpu.memref_slice %arg4[%add3A_641, %dma_wait3A_648, %dma_wait3A_649] : memref<16384x200x128xf32, #tpu.memory_space<hbm>> -> memref<1x200x128xf32, #tpu.memory_space<hbm>>
        %dma_wait3A_651 = tpu.memref_squeeze %dma_wait3A_650 : memref<1x200x128xf32, #tpu.memory_space<hbm>> -> memref<200x128xf32, #tpu.memory_space<hbm>>
        %dma_wait3A_652 = tpu.memref_slice %arg8[%dma_wait3A_643] : memref<4x!tpu.dma_semaphore, #tpu.memory_space<semaphore_mem>> -> memref<1x!tpu.dma_semaphore, #tpu.memory_space<semaphore_mem>>
        %dma_wait3A_653 = tpu.memref_squeeze %dma_wait3A_652 : memref<1x!tpu.dma_semaphore, #tpu.memory_space<semaphore_mem>> -> memref<!tpu.dma_semaphore, #tpu.memory_space<semaphore_mem>>
        %dma_wait3A_654 = arith.constant 0 : i32
        %dma_wait3A_655 = arith.constant 0 : i32
        %dma_wait3A_656 = tpu.memref_slice %arg4[%add3A_641, %dma_wait3A_654, %dma_wait3A_655] : memref<16384x200x128xf32, #tpu.memory_space<hbm>> -> memref<1x200x128xf32, #tpu.memory_space<hbm>>
        %dma_wait3A_657 = tpu.memref_squeeze %dma_wait3A_656 : memref<1x200x128xf32, #tpu.memory_space<hbm>> -> memref<200x128xf32, #tpu.memory_space<hbm>>
        %dma_wait3A_658 = arith.constant 0 : i32
        %dma_wait3A_659 = arith.constant 0 : i32
        %dma_wait3A_660 = tpu.memref_slice %arg6[%dma_wait3A_642, %dma_wait3A_658, %dma_wait3A_659] : memref<4x200x128xf32, #tpu.memory_space<vmem>> -> memref<1x200x128xf32, #tpu.memory_space<vmem>>
        %dma_wait3A_661 = tpu.memref_squeeze %dma_wait3A_660 : memref<1x200x128xf32, #tpu.memory_space<vmem>> -> memref<200x128xf32, #tpu.memory_space<vmem>>
        tpu.wait_dma2 semaphore(%dma_wait3A_653 : memref<!tpu.dma_semaphore, #tpu.memory_space<semaphore_mem>>) src(%dma_wait3A_661 : memref<200x128xf32, #tpu.memory_space<vmem>>) dst(%dma_wait3A_657 : memref<200x128xf32, #tpu.memory_space<hbm>>)
      } else {
      }
      %add3A_261 = arith.constant 2 : i32
      %add3A_262 = arith.addi %add3A_255, %add3A_261 : i32
      %lt3A_263 = arith.constant 512 : i32
      %lt3A_264 = arith.cmpi slt, %add3A_262, %lt3A_263 : i32
      %convert_element_type3A_265 = arith.extui %lt3A_264 : i1 to i32
      %cond3A_266 = arith.constant 0 : i32
      %cond3A_267 = arith.cmpi ne, %convert_element_type3A_265, %cond3A_266 : i32
      scf.if %cond3A_267 {
        %rem3A_639 = arith.constant 32 : i32
        %rem3A_640 = arith.remsi %add3A_262, %rem3A_639 : i32
        %eq3A_641 = arith.constant 0 : i32
        %eq3A_642 = arith.cmpi eq, %rem3A_640, %eq3A_641 : i32
        %convert_element_type3A_643 = arith.extui %eq3A_642 : i1 to i32
        %cond3A_644 = arith.constant 0 : i32
        %cond3A_645 = arith.cmpi ne, %convert_element_type3A_643, %cond3A_644 : i32
        scf.if %cond3A_645 {
          %jit3A_702 = arith.constant 32 : i32
          %div3A_703 = arith.divsi %add3A_262, %jit3A_702 : i32
          %sign3A_704 = arith.constant 0 : i32
          %sign3A_705 = arith.cmpi sgt, %add3A_262, %sign3A_704 : i32
          %sign3A_706 = arith.extui %sign3A_705 : i1 to i32
          %sign3A_707 = arith.constant 0 : i32
          %sign3A_708 = arith.cmpi slt, %add3A_262, %sign3A_707 : i32
          %sign3A_709 = arith.extui %sign3A_708 : i1 to i32
          %sign3A_710 = arith.subi %sign3A_706, %sign3A_709 : i32
          %sign3A_711 = arith.constant 0 : i32
          %sign3A_712 = arith.cmpi sgt, %jit3A_702, %sign3A_711 : i32
          %sign3A_713 = arith.extui %sign3A_712 : i1 to i32
          %sign3A_714 = arith.constant 0 : i32
          %sign3A_715 = arith.cmpi slt, %jit3A_702, %sign3A_714 : i32
          %sign3A_716 = arith.extui %sign3A_715 : i1 to i32
          %sign3A_717 = arith.subi %sign3A_713, %sign3A_716 : i32
          %ne3A_718 = arith.cmpi ne, %sign3A_710, %sign3A_717 : i32
          %rem3A_719 = arith.remsi %add3A_262, %jit3A_702 : i32
          %ne3A_720 = arith.constant 0 : i32
          %ne3A_721 = arith.cmpi ne, %rem3A_719, %ne3A_720 : i32
          %and3A_722 = arith.andi %ne3A_718, %ne3A_721 : i1
          %sub3A_723 = arith.constant 1 : i32
          %sub3A_724 = arith.subi %div3A_703, %sub3A_723 : i32
          %select_n3A_725 = arith.select %and3A_722, %sub3A_724, %div3A_703 : i32
          %mul3A_726 = arith.constant 32 : i32
          %mul3A_727 = arith.muli %select_n3A_725, %mul3A_726 : i32
          %add3A_728 = arith.addi %mul3A_2, %mul3A_727 : i32
          %rem3A_729 = arith.constant 2 : i32
          %rem3A_730 = arith.remsi %select_n3A_725, %rem3A_729 : i32
          %dma_wait3A_731 = arith.constant 0 : i32
          %dma_wait3A_732 = arith.constant 0 : i32
          %dma_wait3A_733 = tpu.memref_slice %arg5[%rem3A_730, %dma_wait3A_731, %dma_wait3A_732] : memref<2x32x200xi32, #tpu.memory_space<vmem>> -> memref<1x32x200xi32, #tpu.memory_space<vmem>>
          %dma_wait3A_734 = tpu.memref_squeeze %dma_wait3A_733 : memref<1x32x200xi32, #tpu.memory_space<vmem>> -> memref<32x200xi32, #tpu.memory_space<vmem>>
          %dma_wait3A_735 = arith.constant 0 : i32
          %dma_wait3A_736 = tpu.memref_slice %arg2[%add3A_728, %dma_wait3A_735] : memref<16384x200xi32, #tpu.memory_space<hbm>> -> memref<32x200xi32, #tpu.memory_space<hbm>>
          %dma_wait3A_737 = arith.constant 0 : i32
          %dma_wait3A_738 = arith.constant 0 : i32
          %dma_wait3A_739 = tpu.memref_slice %arg5[%rem3A_730, %dma_wait3A_737, %dma_wait3A_738] : memref<2x32x200xi32, #tpu.memory_space<vmem>> -> memref<1x32x200xi32, #tpu.memory_space<vmem>>
          %dma_wait3A_740 = tpu.memref_squeeze %dma_wait3A_739 : memref<1x32x200xi32, #tpu.memory_space<vmem>> -> memref<32x200xi32, #tpu.memory_space<vmem>>
          %dma_wait3A_741 = arith.constant 0 : i32
          %dma_wait3A_742 = tpu.memref_slice %arg2[%add3A_728, %dma_wait3A_741] : memref<16384x200xi32, #tpu.memory_space<hbm>> -> memref<32x200xi32, #tpu.memory_space<hbm>>
          tpu.wait_dma2 semaphore(%arg9 : memref<!tpu.dma_semaphore, #tpu.memory_space<semaphore_mem>>) src(%dma_wait3A_742 : memref<32x200xi32, #tpu.memory_space<hbm>>) dst(%dma_wait3A_740 : memref<32x200xi32, #tpu.memory_space<vmem>>)
        } else {
        }
        %jit3A_646 = arith.constant 32 : i32
        %div3A_647 = arith.divsi %add3A_262, %jit3A_646 : i32
        %sign3A_648 = arith.constant 0 : i32
        %sign3A_649 = arith.cmpi sgt, %add3A_262, %sign3A_648 : i32
        %sign3A_650 = arith.extui %sign3A_649 : i1 to i32
        %sign3A_651 = arith.constant 0 : i32
        %sign3A_652 = arith.cmpi slt, %add3A_262, %sign3A_651 : i32
        %sign3A_653 = arith.extui %sign3A_652 : i1 to i32
        %sign3A_654 = arith.subi %sign3A_650, %sign3A_653 : i32
        %sign3A_655 = arith.constant 0 : i32
        %sign3A_656 = arith.cmpi sgt, %jit3A_646, %sign3A_655 : i32
        %sign3A_657 = arith.extui %sign3A_656 : i1 to i32
        %sign3A_658 = arith.constant 0 : i32
        %sign3A_659 = arith.cmpi slt, %jit3A_646, %sign3A_658 : i32
        %sign3A_660 = arith.extui %sign3A_659 : i1 to i32
        %sign3A_661 = arith.subi %sign3A_657, %sign3A_660 : i32
        %ne3A_662 = arith.cmpi ne, %sign3A_654, %sign3A_661 : i32
        %rem3A_663 = arith.remsi %add3A_262, %jit3A_646 : i32
        %ne3A_664 = arith.constant 0 : i32
        %ne3A_665 = arith.cmpi ne, %rem3A_663, %ne3A_664 : i32
        %and3A_666 = arith.andi %ne3A_662, %ne3A_665 : i1
        %sub3A_667 = arith.constant 1 : i32
        %sub3A_668 = arith.subi %div3A_647, %sub3A_667 : i32
        %select_n3A_669 = arith.select %and3A_666, %sub3A_668, %div3A_647 : i32
        %rem3A_670 = arith.constant 2 : i32
        %rem3A_671 = arith.remsi %select_n3A_669, %rem3A_670 : i32
        %rem3A_672 = arith.constant 32 : i32
        %rem3A_673 = arith.remsi %add3A_262, %rem3A_672 : i32
        %dma_start3A_674 = arith.constant 3 : i32
        %dma_start3A_675 = arith.constant 3 : i32
        %dma_start3A_676 = arith.constant 0 : i32
        %dma_start3A_677 = arith.constant 0 : i32
        %dma_start3A_678 = tpu.memref_slice %arg6[%dma_start3A_674, %dma_start3A_676, %dma_start3A_677] : memref<4x200x128xf32, #tpu.memory_space<vmem>> -> memref<1x128x128xf32, #tpu.memory_space<vmem>>
        %dma_start3A_679 = tpu.memref_squeeze %dma_start3A_678 : memref<1x128x128xf32, #tpu.memory_space<vmem>> -> memref<128x128xf32, #tpu.memory_space<vmem>>
        %dma_start3A_680 = arith.constant 0 : i32
        %dma_start3A_681 = tpu.memref_slice %arg5[%rem3A_671, %rem3A_673, %dma_start3A_680] : memref<2x32x200xi32, #tpu.memory_space<vmem>> -> memref<1x1x128xi32, #tpu.memory_space<vmem>>
        %dma_start3A_682 = tpu.memref_squeeze %dma_start3A_681 : memref<1x1x128xi32, #tpu.memory_space<vmem>> -> memref<128xi32, #tpu.memory_space<vmem>>
        %dma_start3A_683 = arith.constant 0 : i32
        %dma_start3A_684 = arith.constant 0 : i32
        %dma_start3A_685 = tpu.memref_slice %arg3[%dma_start3A_683, %dma_start3A_684] : memref<1000000x128xf32, #tpu.memory_space<hbm>> -> memref<1000000x128xf32, #tpu.memory_space<hbm>>
        %dma_start3A_686 = tpu.memref_slice %arg7[%dma_start3A_675] : memref<4x!tpu.dma_semaphore, #tpu.memory_space<semaphore_mem>> -> memref<1x!tpu.dma_semaphore, #tpu.memory_space<semaphore_mem>>
        %dma_start3A_687 = tpu.memref_squeeze %dma_start3A_686 : memref<1x!tpu.dma_semaphore, #tpu.memory_space<semaphore_mem>> -> memref<!tpu.dma_semaphore, #tpu.memory_space<semaphore_mem>>
        tpu.enqueue_indirect_dma source(%dma_start3A_685 : memref<1000000x128xf32, #tpu.memory_space<hbm>>) target(%dma_start3A_679 : memref<128x128xf32, #tpu.memory_space<vmem>>) offsets(%dma_start3A_682 : memref<128xi32, #tpu.memory_space<vmem>>) semaphore(%dma_start3A_687 : memref<!tpu.dma_semaphore, #tpu.memory_space<semaphore_mem>>)
        %dma_start3A_688 = arith.constant 3 : i32
        %dma_start3A_689 = arith.constant 3 : i32
        %dma_start3A_690 = arith.constant 128 : i32
        %dma_start3A_691 = arith.constant 0 : i32
        %dma_start3A_692 = tpu.memref_slice %arg6[%dma_start3A_688, %dma_start3A_690, %dma_start3A_691] : memref<4x200x128xf32, #tpu.memory_space<vmem>> -> memref<1x72x128xf32, #tpu.memory_space<vmem>>
        %dma_start3A_693 = tpu.memref_squeeze %dma_start3A_692 : memref<1x72x128xf32, #tpu.memory_space<vmem>> -> memref<72x128xf32, #tpu.memory_space<vmem>>
        %dma_start3A_694 = arith.constant 128 : i32
        %dma_start3A_695 = tpu.memref_slice %arg5[%rem3A_671, %rem3A_673, %dma_start3A_694] : memref<2x32x200xi32, #tpu.memory_space<vmem>> -> memref<1x1x72xi32, #tpu.memory_space<vmem>>
        %dma_start3A_696 = tpu.memref_squeeze %dma_start3A_695 : memref<1x1x72xi32, #tpu.memory_space<vmem>> -> memref<72xi32, #tpu.memory_space<vmem>>
        %dma_start3A_697 = arith.constant 0 : i32
        %dma_start3A_698 = arith.constant 0 : i32
        %dma_start3A_699 = tpu.memref_slice %arg3[%dma_start3A_697, %dma_start3A_698] : memref<1000000x128xf32, #tpu.memory_space<hbm>> -> memref<1000000x128xf32, #tpu.memory_space<hbm>>
        %dma_start3A_700 = tpu.memref_slice %arg7[%dma_start3A_689] : memref<4x!tpu.dma_semaphore, #tpu.memory_space<semaphore_mem>> -> memref<1x!tpu.dma_semaphore, #tpu.memory_space<semaphore_mem>>
        %dma_start3A_701 = tpu.memref_squeeze %dma_start3A_700 : memref<1x!tpu.dma_semaphore, #tpu.memory_space<semaphore_mem>> -> memref<!tpu.dma_semaphore, #tpu.memory_space<semaphore_mem>>
        tpu.enqueue_indirect_dma source(%dma_start3A_699 : memref<1000000x128xf32, #tpu.memory_space<hbm>>) target(%dma_start3A_693 : memref<72x128xf32, #tpu.memory_space<vmem>>) offsets(%dma_start3A_696 : memref<72xi32, #tpu.memory_space<vmem>>) semaphore(%dma_start3A_701 : memref<!tpu.dma_semaphore, #tpu.memory_space<semaphore_mem>>)
      } else {
      }
      %jit3A_268 = arith.constant 32 : i32
      %div3A_269 = arith.divsi %add3A_255, %jit3A_268 : i32
      %sign3A_270 = arith.constant 0 : i32
      %sign3A_271 = arith.cmpi sgt, %add3A_255, %sign3A_270 : i32
      %sign3A_272 = arith.extui %sign3A_271 : i1 to i32
      %sign3A_273 = arith.constant 0 : i32
      %sign3A_274 = arith.cmpi slt, %add3A_255, %sign3A_273 : i32
      %sign3A_275 = arith.extui %sign3A_274 : i1 to i32
      %sign3A_276 = arith.subi %sign3A_272, %sign3A_275 : i32
      %sign3A_277 = arith.constant 0 : i32
      %sign3A_278 = arith.cmpi sgt, %jit3A_268, %sign3A_277 : i32
      %sign3A_279 = arith.extui %sign3A_278 : i1 to i32
      %sign3A_280 = arith.constant 0 : i32
      %sign3A_281 = arith.cmpi slt, %jit3A_268, %sign3A_280 : i32
      %sign3A_282 = arith.extui %sign3A_281 : i1 to i32
      %sign3A_283 = arith.subi %sign3A_279, %sign3A_282 : i32
      %ne3A_284 = arith.cmpi ne, %sign3A_276, %sign3A_283 : i32
      %rem3A_285 = arith.remsi %add3A_255, %jit3A_268 : i32
      %ne3A_286 = arith.constant 0 : i32
      %ne3A_287 = arith.cmpi ne, %rem3A_285, %ne3A_286 : i32
      %and3A_288 = arith.andi %ne3A_284, %ne3A_287 : i1
      %sub3A_289 = arith.constant 1 : i32
      %sub3A_290 = arith.subi %div3A_269, %sub3A_289 : i32
      %select_n3A_291 = arith.select %and3A_288, %sub3A_290, %div3A_269 : i32
      %rem3A_292 = arith.constant 2 : i32
      %rem3A_293 = arith.remsi %select_n3A_291, %rem3A_292 : i32
      %rem3A_294 = arith.constant 32 : i32
      %rem3A_295 = arith.remsi %add3A_255, %rem3A_294 : i32
      %dma_wait3A_296 = arith.constant 1 : i32
      %dma_wait3A_297 = arith.constant 1 : i32
      %dma_wait3A_298 = arith.constant 0 : i32
      %dma_wait3A_299 = arith.constant 0 : i32
      %dma_wait3A_300 = tpu.memref_slice %arg6[%dma_wait3A_296, %dma_wait3A_298, %dma_wait3A_299] : memref<4x200x128xf32, #tpu.memory_space<vmem>> -> memref<1x128x128xf32, #tpu.memory_space<vmem>>
      %dma_wait3A_301 = tpu.memref_squeeze %dma_wait3A_300 : memref<1x128x128xf32, #tpu.memory_space<vmem>> -> memref<128x128xf32, #tpu.memory_space<vmem>>
      %dma_wait3A_302 = arith.constant 0 : i32
      %dma_wait3A_303 = tpu.memref_slice %arg5[%rem3A_293, %rem3A_295, %dma_wait3A_302] : memref<2x32x200xi32, #tpu.memory_space<vmem>> -> memref<1x1x128xi32, #tpu.memory_space<vmem>>
      %dma_wait3A_304 = tpu.memref_squeeze %dma_wait3A_303 : memref<1x1x128xi32, #tpu.memory_space<vmem>> -> memref<128xi32, #tpu.memory_space<vmem>>
      %dma_wait3A_305 = arith.constant 0 : i32
      %dma_wait3A_306 = arith.constant 0 : i32
      %dma_wait3A_307 = tpu.memref_slice %arg3[%dma_wait3A_305, %dma_wait3A_306] : memref<1000000x128xf32, #tpu.memory_space<hbm>> -> memref<1000000x128xf32, #tpu.memory_space<hbm>>
      %dma_wait3A_308 = tpu.memref_slice %arg7[%dma_wait3A_297] : memref<4x!tpu.dma_semaphore, #tpu.memory_space<semaphore_mem>> -> memref<1x!tpu.dma_semaphore, #tpu.memory_space<semaphore_mem>>
      %dma_wait3A_309 = tpu.memref_squeeze %dma_wait3A_308 : memref<1x!tpu.dma_semaphore, #tpu.memory_space<semaphore_mem>> -> memref<!tpu.dma_semaphore, #tpu.memory_space<semaphore_mem>>
      tpu.wait_indirect_dma semaphore(%dma_wait3A_309 : memref<!tpu.dma_semaphore, #tpu.memory_space<semaphore_mem>>) src(%dma_wait3A_307 : memref<1000000x128xf32, #tpu.memory_space<hbm>>) dst(%dma_wait3A_301 : memref<128x128xf32, #tpu.memory_space<vmem>>)
      %dma_wait3A_310 = arith.constant 1 : i32
      %dma_wait3A_311 = arith.constant 1 : i32
      %dma_wait3A_312 = arith.constant 128 : i32
      %dma_wait3A_313 = arith.constant 0 : i32
      %dma_wait3A_314 = tpu.memref_slice %arg6[%dma_wait3A_310, %dma_wait3A_312, %dma_wait3A_313] : memref<4x200x128xf32, #tpu.memory_space<vmem>> -> memref<1x72x128xf32, #tpu.memory_space<vmem>>
      %dma_wait3A_315 = tpu.memref_squeeze %dma_wait3A_314 : memref<1x72x128xf32, #tpu.memory_space<vmem>> -> memref<72x128xf32, #tpu.memory_space<vmem>>
      %dma_wait3A_316 = arith.constant 128 : i32
      %dma_wait3A_317 = tpu.memref_slice %arg5[%rem3A_293, %rem3A_295, %dma_wait3A_316] : memref<2x32x200xi32, #tpu.memory_space<vmem>> -> memref<1x1x72xi32, #tpu.memory_space<vmem>>
      %dma_wait3A_318 = tpu.memref_squeeze %dma_wait3A_317 : memref<1x1x72xi32, #tpu.memory_space<vmem>> -> memref<72xi32, #tpu.memory_space<vmem>>
      %dma_wait3A_319 = arith.constant 0 : i32
      %dma_wait3A_320 = arith.constant 0 : i32
      %dma_wait3A_321 = tpu.memref_slice %arg3[%dma_wait3A_319, %dma_wait3A_320] : memref<1000000x128xf32, #tpu.memory_space<hbm>> -> memref<1000000x128xf32, #tpu.memory_space<hbm>>
      %dma_wait3A_322 = tpu.memref_slice %arg7[%dma_wait3A_311] : memref<4x!tpu.dma_semaphore, #tpu.memory_space<semaphore_mem>> -> memref<1x!tpu.dma_semaphore, #tpu.memory_space<semaphore_mem>>
      %dma_wait3A_323 = tpu.memref_squeeze %dma_wait3A_322 : memref<1x!tpu.dma_semaphore, #tpu.memory_space<semaphore_mem>> -> memref<!tpu.dma_semaphore, #tpu.memory_space<semaphore_mem>>
      tpu.wait_indirect_dma semaphore(%dma_wait3A_323 : memref<!tpu.dma_semaphore, #tpu.memory_space<semaphore_mem>>) src(%dma_wait3A_321 : memref<1000000x128xf32, #tpu.memory_space<hbm>>) dst(%dma_wait3A_315 : memref<72x128xf32, #tpu.memory_space<vmem>>)
      %add3A_324 = arith.addi %mul3A_2, %add3A_255 : i32
      %dma_start3A_325 = arith.constant 1 : i32
      %dma_start3A_326 = arith.constant 1 : i32
      %dma_start3A_327 = arith.constant 0 : i32
      %dma_start3A_328 = arith.constant 0 : i32
      %dma_start3A_329 = tpu.memref_slice %arg6[%dma_start3A_325, %dma_start3A_327, %dma_start3A_328] : memref<4x200x128xf32, #tpu.memory_space<vmem>> -> memref<1x200x128xf32, #tpu.memory_space<vmem>>
      %dma_start3A_330 = tpu.memref_squeeze %dma_start3A_329 : memref<1x200x128xf32, #tpu.memory_space<vmem>> -> memref<200x128xf32, #tpu.memory_space<vmem>>
      %dma_start3A_331 = arith.constant 0 : i32
      %dma_start3A_332 = arith.constant 0 : i32
      %dma_start3A_333 = tpu.memref_slice %arg4[%add3A_324, %dma_start3A_331, %dma_start3A_332] : memref<16384x200x128xf32, #tpu.memory_space<hbm>> -> memref<1x200x128xf32, #tpu.memory_space<hbm>>
      %dma_start3A_334 = tpu.memref_squeeze %dma_start3A_333 : memref<1x200x128xf32, #tpu.memory_space<hbm>> -> memref<200x128xf32, #tpu.memory_space<hbm>>
      %dma_start3A_335 = tpu.memref_slice %arg8[%dma_start3A_326] : memref<4x!tpu.dma_semaphore, #tpu.memory_space<semaphore_mem>> -> memref<1x!tpu.dma_semaphore, #tpu.memory_space<semaphore_mem>>
      %dma_start3A_336 = tpu.memref_squeeze %dma_start3A_335 : memref<1x!tpu.dma_semaphore, #tpu.memory_space<semaphore_mem>> -> memref<!tpu.dma_semaphore, #tpu.memory_space<semaphore_mem>>
      %dma_start3A_337 = arith.constant 0 : i32
      %dma_start3A_338 = arith.constant 0 : i32
      %dma_start3A_339 = tpu.memref_slice %arg4[%add3A_324, %dma_start3A_337, %dma_start3A_338] : memref<16384x200x128xf32, #tpu.memory_space<hbm>> -> memref<1x200x128xf32, #tpu.memory_space<hbm>>
      %dma_start3A_340 = tpu.memref_squeeze %dma_start3A_339 : memref<1x200x128xf32, #tpu.memory_space<hbm>> -> memref<200x128xf32, #tpu.memory_space<hbm>>
      %dma_start3A_341 = arith.constant 0 : i32
      %dma_start3A_342 = arith.constant 0 : i32
      %dma_start3A_343 = tpu.memref_slice %arg6[%dma_start3A_325, %dma_start3A_341, %dma_start3A_342] : memref<4x200x128xf32, #tpu.memory_space<vmem>> -> memref<1x200x128xf32, #tpu.memory_space<vmem>>
      %dma_start3A_344 = tpu.memref_squeeze %dma_start3A_343 : memref<1x200x128xf32, #tpu.memory_space<vmem>> -> memref<200x128xf32, #tpu.memory_space<vmem>>
      tpu.enqueue_dma source(%dma_start3A_344 : memref<200x128xf32, #tpu.memory_space<vmem>>) target(%dma_start3A_340 : memref<200x128xf32, #tpu.memory_space<hbm>>) target_semaphore(%dma_start3A_336 : memref<!tpu.dma_semaphore, #tpu.memory_space<semaphore_mem>>)
      %rem3A_345 = arith.constant 32 : i32
      %rem3A_346 = arith.remsi %add3A_255, %rem3A_345 : i32
      %eq3A_347 = arith.constant 31 : i32
      %eq3A_348 = arith.cmpi eq, %rem3A_346, %eq3A_347 : i32
      %jit3A_349 = arith.constant 32 : i32
      %div3A_350 = arith.divsi %add3A_255, %jit3A_349 : i32
      %sign3A_351 = arith.constant 0 : i32
      %sign3A_352 = arith.cmpi sgt, %add3A_255, %sign3A_351 : i32
      %sign3A_353 = arith.extui %sign3A_352 : i1 to i32
      %sign3A_354 = arith.constant 0 : i32
      %sign3A_355 = arith.cmpi slt, %add3A_255, %sign3A_354 : i32
      %sign3A_356 = arith.extui %sign3A_355 : i1 to i32
      %sign3A_357 = arith.subi %sign3A_353, %sign3A_356 : i32
      %sign3A_358 = arith.constant 0 : i32
      %sign3A_359 = arith.cmpi sgt, %jit3A_349, %sign3A_358 : i32
      %sign3A_360 = arith.extui %sign3A_359 : i1 to i32
      %sign3A_361 = arith.constant 0 : i32
      %sign3A_362 = arith.cmpi slt, %jit3A_349, %sign3A_361 : i32
      %sign3A_363 = arith.extui %sign3A_362 : i1 to i32
      %sign3A_364 = arith.subi %sign3A_360, %sign3A_363 : i32
      %ne3A_365 = arith.cmpi ne, %sign3A_357, %sign3A_364 : i32
      %rem3A_366 = arith.remsi %add3A_255, %jit3A_349 : i32
      %ne3A_367 = arith.constant 0 : i32
      %ne3A_368 = arith.cmpi ne, %rem3A_366, %ne3A_367 : i32
      %and3A_369 = arith.andi %ne3A_365, %ne3A_368 : i1
      %sub3A_370 = arith.constant 1 : i32
      %sub3A_371 = arith.subi %div3A_350, %sub3A_370 : i32
      %select_n3A_372 = arith.select %and3A_369, %sub3A_371, %div3A_350 : i32
      %add3A_373 = arith.constant 2 : i32
      %add3A_374 = arith.addi %select_n3A_372, %add3A_373 : i32
      %lt3A_375 = arith.constant 16 : i32
      %lt3A_376 = arith.cmpi slt, %add3A_374, %lt3A_375 : i32
      %and3A_377 = arith.andi %eq3A_348, %lt3A_376 : i1
      %convert_element_type3A_378 = arith.extui %and3A_377 : i1 to i32
      %cond3A_379 = arith.constant 0 : i32
      %cond3A_380 = arith.cmpi ne, %convert_element_type3A_378, %cond3A_379 : i32
      scf.if %cond3A_380 {
        %jit3A_639 = arith.constant 32 : i32
        %div3A_640 = arith.divsi %add3A_255, %jit3A_639 : i32
        %sign3A_641 = arith.constant 0 : i32
        %sign3A_642 = arith.cmpi sgt, %add3A_255, %sign3A_641 : i32
        %sign3A_643 = arith.extui %sign3A_642 : i1 to i32
        %sign3A_644 = arith.constant 0 : i32
        %sign3A_645 = arith.cmpi slt, %add3A_255, %sign3A_644 : i32
        %sign3A_646 = arith.extui %sign3A_645 : i1 to i32
        %sign3A_647 = arith.subi %sign3A_643, %sign3A_646 : i32
        %sign3A_648 = arith.constant 0 : i32
        %sign3A_649 = arith.cmpi sgt, %jit3A_639, %sign3A_648 : i32
        %sign3A_650 = arith.extui %sign3A_649 : i1 to i32
        %sign3A_651 = arith.constant 0 : i32
        %sign3A_652 = arith.cmpi slt, %jit3A_639, %sign3A_651 : i32
        %sign3A_653 = arith.extui %sign3A_652 : i1 to i32
        %sign3A_654 = arith.subi %sign3A_650, %sign3A_653 : i32
        %ne3A_655 = arith.cmpi ne, %sign3A_647, %sign3A_654 : i32
        %rem3A_656 = arith.remsi %add3A_255, %jit3A_639 : i32
        %ne3A_657 = arith.constant 0 : i32
        %ne3A_658 = arith.cmpi ne, %rem3A_656, %ne3A_657 : i32
        %and3A_659 = arith.andi %ne3A_655, %ne3A_658 : i1
        %sub3A_660 = arith.constant 1 : i32
        %sub3A_661 = arith.subi %div3A_640, %sub3A_660 : i32
        %select_n3A_662 = arith.select %and3A_659, %sub3A_661, %div3A_640 : i32
        %add3A_663 = arith.constant 2 : i32
        %add3A_664 = arith.addi %select_n3A_662, %add3A_663 : i32
        %mul3A_665 = arith.constant 32 : i32
        %mul3A_666 = arith.muli %add3A_664, %mul3A_665 : i32
        %add3A_667 = arith.addi %mul3A_2, %mul3A_666 : i32
        %rem3A_668 = arith.constant 2 : i32
        %rem3A_669 = arith.remsi %add3A_664, %rem3A_668 : i32
        %dma_start3A_670 = arith.constant 0 : i32
        %dma_start3A_671 = arith.constant 0 : i32
        %dma_start3A_672 = tpu.memref_slice %arg5[%rem3A_669, %dma_start3A_670, %dma_start3A_671] : memref<2x32x200xi32, #tpu.memory_space<vmem>> -> memref<1x32x200xi32, #tpu.memory_space<vmem>>
        %dma_start3A_673 = tpu.memref_squeeze %dma_start3A_672 : memref<1x32x200xi32, #tpu.memory_space<vmem>> -> memref<32x200xi32, #tpu.memory_space<vmem>>
        %dma_start3A_674 = arith.constant 0 : i32
        %dma_start3A_675 = tpu.memref_slice %arg2[%add3A_667, %dma_start3A_674] : memref<16384x200xi32, #tpu.memory_space<hbm>> -> memref<32x200xi32, #tpu.memory_space<hbm>>
        %dma_start3A_676 = arith.constant 0 : i32
        %dma_start3A_677 = arith.constant 0 : i32
        %dma_start3A_678 = tpu.memref_slice %arg5[%rem3A_669, %dma_start3A_676, %dma_start3A_677] : memref<2x32x200xi32, #tpu.memory_space<vmem>> -> memref<1x32x200xi32, #tpu.memory_space<vmem>>
        %dma_start3A_679 = tpu.memref_squeeze %dma_start3A_678 : memref<1x32x200xi32, #tpu.memory_space<vmem>> -> memref<32x200xi32, #tpu.memory_space<vmem>>
        %dma_start3A_680 = arith.constant 0 : i32
        %dma_start3A_681 = tpu.memref_slice %arg2[%add3A_667, %dma_start3A_680] : memref<16384x200xi32, #tpu.memory_space<hbm>> -> memref<32x200xi32, #tpu.memory_space<hbm>>
        tpu.enqueue_dma source(%dma_start3A_681 : memref<32x200xi32, #tpu.memory_space<hbm>>) target(%dma_start3A_679 : memref<32x200xi32, #tpu.memory_space<vmem>>) target_semaphore(%arg9 : memref<!tpu.dma_semaphore, #tpu.memory_space<semaphore_mem>>)
      } else {
      }
      %mul3A_381 = arith.constant 4 : i32
      %mul3A_382 = arith.muli %mul3A_381, %scan3A_134 : i32
      %add3A_383 = arith.constant 2 : i32
      %add3A_384 = arith.addi %mul3A_382, %add3A_383 : i32
      %ge3A_385 = arith.constant 2 : i32
      %ge3A_386 = arith.cmpi sge, %add3A_384, %ge3A_385 : i32
      %convert_element_type3A_387 = arith.extui %ge3A_386 : i1 to i32
      %cond3A_388 = arith.constant 0 : i32
      %cond3A_389 = arith.cmpi ne, %convert_element_type3A_387, %cond3A_388 : i32
      scf.if %cond3A_389 {
        %sub3A_639 = arith.constant 2 : i32
        %sub3A_640 = arith.subi %add3A_384, %sub3A_639 : i32
        %add3A_641 = arith.addi %mul3A_2, %sub3A_640 : i32
        %dma_wait3A_642 = arith.constant 0 : i32
        %dma_wait3A_643 = arith.constant 0 : i32
        %dma_wait3A_644 = arith.constant 0 : i32
        %dma_wait3A_645 = arith.constant 0 : i32
        %dma_wait3A_646 = tpu.memref_slice %arg6[%dma_wait3A_642, %dma_wait3A_644, %dma_wait3A_645] : memref<4x200x128xf32, #tpu.memory_space<vmem>> -> memref<1x200x128xf32, #tpu.memory_space<vmem>>
        %dma_wait3A_647 = tpu.memref_squeeze %dma_wait3A_646 : memref<1x200x128xf32, #tpu.memory_space<vmem>> -> memref<200x128xf32, #tpu.memory_space<vmem>>
        %dma_wait3A_648 = arith.constant 0 : i32
        %dma_wait3A_649 = arith.constant 0 : i32
        %dma_wait3A_650 = tpu.memref_slice %arg4[%add3A_641, %dma_wait3A_648, %dma_wait3A_649] : memref<16384x200x128xf32, #tpu.memory_space<hbm>> -> memref<1x200x128xf32, #tpu.memory_space<hbm>>
        %dma_wait3A_651 = tpu.memref_squeeze %dma_wait3A_650 : memref<1x200x128xf32, #tpu.memory_space<hbm>> -> memref<200x128xf32, #tpu.memory_space<hbm>>
        %dma_wait3A_652 = tpu.memref_slice %arg8[%dma_wait3A_643] : memref<4x!tpu.dma_semaphore, #tpu.memory_space<semaphore_mem>> -> memref<1x!tpu.dma_semaphore, #tpu.memory_space<semaphore_mem>>
        %dma_wait3A_653 = tpu.memref_squeeze %dma_wait3A_652 : memref<1x!tpu.dma_semaphore, #tpu.memory_space<semaphore_mem>> -> memref<!tpu.dma_semaphore, #tpu.memory_space<semaphore_mem>>
        %dma_wait3A_654 = arith.constant 0 : i32
        %dma_wait3A_655 = arith.constant 0 : i32
        %dma_wait3A_656 = tpu.memref_slice %arg4[%add3A_641, %dma_wait3A_654, %dma_wait3A_655] : memref<16384x200x128xf32, #tpu.memory_space<hbm>> -> memref<1x200x128xf32, #tpu.memory_space<hbm>>
        %dma_wait3A_657 = tpu.memref_squeeze %dma_wait3A_656 : memref<1x200x128xf32, #tpu.memory_space<hbm>> -> memref<200x128xf32, #tpu.memory_space<hbm>>
        %dma_wait3A_658 = arith.constant 0 : i32
        %dma_wait3A_659 = arith.constant 0 : i32
        %dma_wait3A_660 = tpu.memref_slice %arg6[%dma_wait3A_642, %dma_wait3A_658, %dma_wait3A_659] : memref<4x200x128xf32, #tpu.memory_space<vmem>> -> memref<1x200x128xf32, #tpu.memory_space<vmem>>
        %dma_wait3A_661 = tpu.memref_squeeze %dma_wait3A_660 : memref<1x200x128xf32, #tpu.memory_space<vmem>> -> memref<200x128xf32, #tpu.memory_space<vmem>>
        tpu.wait_dma2 semaphore(%dma_wait3A_653 : memref<!tpu.dma_semaphore, #tpu.memory_space<semaphore_mem>>) src(%dma_wait3A_661 : memref<200x128xf32, #tpu.memory_space<vmem>>) dst(%dma_wait3A_657 : memref<200x128xf32, #tpu.memory_space<hbm>>)
      } else {
      }
      %add3A_390 = arith.constant 2 : i32
      %add3A_391 = arith.addi %add3A_384, %add3A_390 : i32
      %lt3A_392 = arith.constant 512 : i32
      %lt3A_393 = arith.cmpi slt, %add3A_391, %lt3A_392 : i32
      %convert_element_type3A_394 = arith.extui %lt3A_393 : i1 to i32
      %cond3A_395 = arith.constant 0 : i32
      %cond3A_396 = arith.cmpi ne, %convert_element_type3A_394, %cond3A_395 : i32
      scf.if %cond3A_396 {
        %rem3A_639 = arith.constant 32 : i32
        %rem3A_640 = arith.remsi %add3A_391, %rem3A_639 : i32
        %eq3A_641 = arith.constant 0 : i32
        %eq3A_642 = arith.cmpi eq, %rem3A_640, %eq3A_641 : i32
        %convert_element_type3A_643 = arith.extui %eq3A_642 : i1 to i32
        %cond3A_644 = arith.constant 0 : i32
        %cond3A_645 = arith.cmpi ne, %convert_element_type3A_643, %cond3A_644 : i32
        scf.if %cond3A_645 {
          %jit3A_702 = arith.constant 32 : i32
          %div3A_703 = arith.divsi %add3A_391, %jit3A_702 : i32
          %sign3A_704 = arith.constant 0 : i32
          %sign3A_705 = arith.cmpi sgt, %add3A_391, %sign3A_704 : i32
          %sign3A_706 = arith.extui %sign3A_705 : i1 to i32
          %sign3A_707 = arith.constant 0 : i32
          %sign3A_708 = arith.cmpi slt, %add3A_391, %sign3A_707 : i32
          %sign3A_709 = arith.extui %sign3A_708 : i1 to i32
          %sign3A_710 = arith.subi %sign3A_706, %sign3A_709 : i32
          %sign3A_711 = arith.constant 0 : i32
          %sign3A_712 = arith.cmpi sgt, %jit3A_702, %sign3A_711 : i32
          %sign3A_713 = arith.extui %sign3A_712 : i1 to i32
          %sign3A_714 = arith.constant 0 : i32
          %sign3A_715 = arith.cmpi slt, %jit3A_702, %sign3A_714 : i32
          %sign3A_716 = arith.extui %sign3A_715 : i1 to i32
          %sign3A_717 = arith.subi %sign3A_713, %sign3A_716 : i32
          %ne3A_718 = arith.cmpi ne, %sign3A_710, %sign3A_717 : i32
          %rem3A_719 = arith.remsi %add3A_391, %jit3A_702 : i32
          %ne3A_720 = arith.constant 0 : i32
          %ne3A_721 = arith.cmpi ne, %rem3A_719, %ne3A_720 : i32
          %and3A_722 = arith.andi %ne3A_718, %ne3A_721 : i1
          %sub3A_723 = arith.constant 1 : i32
          %sub3A_724 = arith.subi %div3A_703, %sub3A_723 : i32
          %select_n3A_725 = arith.select %and3A_722, %sub3A_724, %div3A_703 : i32
          %mul3A_726 = arith.constant 32 : i32
          %mul3A_727 = arith.muli %select_n3A_725, %mul3A_726 : i32
          %add3A_728 = arith.addi %mul3A_2, %mul3A_727 : i32
          %rem3A_729 = arith.constant 2 : i32
          %rem3A_730 = arith.remsi %select_n3A_725, %rem3A_729 : i32
          %dma_wait3A_731 = arith.constant 0 : i32
          %dma_wait3A_732 = arith.constant 0 : i32
          %dma_wait3A_733 = tpu.memref_slice %arg5[%rem3A_730, %dma_wait3A_731, %dma_wait3A_732] : memref<2x32x200xi32, #tpu.memory_space<vmem>> -> memref<1x32x200xi32, #tpu.memory_space<vmem>>
          %dma_wait3A_734 = tpu.memref_squeeze %dma_wait3A_733 : memref<1x32x200xi32, #tpu.memory_space<vmem>> -> memref<32x200xi32, #tpu.memory_space<vmem>>
          %dma_wait3A_735 = arith.constant 0 : i32
          %dma_wait3A_736 = tpu.memref_slice %arg2[%add3A_728, %dma_wait3A_735] : memref<16384x200xi32, #tpu.memory_space<hbm>> -> memref<32x200xi32, #tpu.memory_space<hbm>>
          %dma_wait3A_737 = arith.constant 0 : i32
          %dma_wait3A_738 = arith.constant 0 : i32
          %dma_wait3A_739 = tpu.memref_slice %arg5[%rem3A_730, %dma_wait3A_737, %dma_wait3A_738] : memref<2x32x200xi32, #tpu.memory_space<vmem>> -> memref<1x32x200xi32, #tpu.memory_space<vmem>>
          %dma_wait3A_740 = tpu.memref_squeeze %dma_wait3A_739 : memref<1x32x200xi32, #tpu.memory_space<vmem>> -> memref<32x200xi32, #tpu.memory_space<vmem>>
          %dma_wait3A_741 = arith.constant 0 : i32
          %dma_wait3A_742 = tpu.memref_slice %arg2[%add3A_728, %dma_wait3A_741] : memref<16384x200xi32, #tpu.memory_space<hbm>> -> memref<32x200xi32, #tpu.memory_space<hbm>>
          tpu.wait_dma2 semaphore(%arg9 : memref<!tpu.dma_semaphore, #tpu.memory_space<semaphore_mem>>) src(%dma_wait3A_742 : memref<32x200xi32, #tpu.memory_space<hbm>>) dst(%dma_wait3A_740 : memref<32x200xi32, #tpu.memory_space<vmem>>)
        } else {
        }
        %jit3A_646 = arith.constant 32 : i32
        %div3A_647 = arith.divsi %add3A_391, %jit3A_646 : i32
        %sign3A_648 = arith.constant 0 : i32
        %sign3A_649 = arith.cmpi sgt, %add3A_391, %sign3A_648 : i32
        %sign3A_650 = arith.extui %sign3A_649 : i1 to i32
        %sign3A_651 = arith.constant 0 : i32
        %sign3A_652 = arith.cmpi slt, %add3A_391, %sign3A_651 : i32
        %sign3A_653 = arith.extui %sign3A_652 : i1 to i32
        %sign3A_654 = arith.subi %sign3A_650, %sign3A_653 : i32
        %sign3A_655 = arith.constant 0 : i32
        %sign3A_656 = arith.cmpi sgt, %jit3A_646, %sign3A_655 : i32
        %sign3A_657 = arith.extui %sign3A_656 : i1 to i32
        %sign3A_658 = arith.constant 0 : i32
        %sign3A_659 = arith.cmpi slt, %jit3A_646, %sign3A_658 : i32
        %sign3A_660 = arith.extui %sign3A_659 : i1 to i32
        %sign3A_661 = arith.subi %sign3A_657, %sign3A_660 : i32
        %ne3A_662 = arith.cmpi ne, %sign3A_654, %sign3A_661 : i32
        %rem3A_663 = arith.remsi %add3A_391, %jit3A_646 : i32
        %ne3A_664 = arith.constant 0 : i32
        %ne3A_665 = arith.cmpi ne, %rem3A_663, %ne3A_664 : i32
        %and3A_666 = arith.andi %ne3A_662, %ne3A_665 : i1
        %sub3A_667 = arith.constant 1 : i32
        %sub3A_668 = arith.subi %div3A_647, %sub3A_667 : i32
        %select_n3A_669 = arith.select %and3A_666, %sub3A_668, %div3A_647 : i32
        %rem3A_670 = arith.constant 2 : i32
        %rem3A_671 = arith.remsi %select_n3A_669, %rem3A_670 : i32
        %rem3A_672 = arith.constant 32 : i32
        %rem3A_673 = arith.remsi %add3A_391, %rem3A_672 : i32
        %dma_start3A_674 = arith.constant 0 : i32
        %dma_start3A_675 = arith.constant 0 : i32
        %dma_start3A_676 = arith.constant 0 : i32
        %dma_start3A_677 = arith.constant 0 : i32
        %dma_start3A_678 = tpu.memref_slice %arg6[%dma_start3A_674, %dma_start3A_676, %dma_start3A_677] : memref<4x200x128xf32, #tpu.memory_space<vmem>> -> memref<1x128x128xf32, #tpu.memory_space<vmem>>
        %dma_start3A_679 = tpu.memref_squeeze %dma_start3A_678 : memref<1x128x128xf32, #tpu.memory_space<vmem>> -> memref<128x128xf32, #tpu.memory_space<vmem>>
        %dma_start3A_680 = arith.constant 0 : i32
        %dma_start3A_681 = tpu.memref_slice %arg5[%rem3A_671, %rem3A_673, %dma_start3A_680] : memref<2x32x200xi32, #tpu.memory_space<vmem>> -> memref<1x1x128xi32, #tpu.memory_space<vmem>>
        %dma_start3A_682 = tpu.memref_squeeze %dma_start3A_681 : memref<1x1x128xi32, #tpu.memory_space<vmem>> -> memref<128xi32, #tpu.memory_space<vmem>>
        %dma_start3A_683 = arith.constant 0 : i32
        %dma_start3A_684 = arith.constant 0 : i32
        %dma_start3A_685 = tpu.memref_slice %arg3[%dma_start3A_683, %dma_start3A_684] : memref<1000000x128xf32, #tpu.memory_space<hbm>> -> memref<1000000x128xf32, #tpu.memory_space<hbm>>
        %dma_start3A_686 = tpu.memref_slice %arg7[%dma_start3A_675] : memref<4x!tpu.dma_semaphore, #tpu.memory_space<semaphore_mem>> -> memref<1x!tpu.dma_semaphore, #tpu.memory_space<semaphore_mem>>
        %dma_start3A_687 = tpu.memref_squeeze %dma_start3A_686 : memref<1x!tpu.dma_semaphore, #tpu.memory_space<semaphore_mem>> -> memref<!tpu.dma_semaphore, #tpu.memory_space<semaphore_mem>>
        tpu.enqueue_indirect_dma source(%dma_start3A_685 : memref<1000000x128xf32, #tpu.memory_space<hbm>>) target(%dma_start3A_679 : memref<128x128xf32, #tpu.memory_space<vmem>>) offsets(%dma_start3A_682 : memref<128xi32, #tpu.memory_space<vmem>>) semaphore(%dma_start3A_687 : memref<!tpu.dma_semaphore, #tpu.memory_space<semaphore_mem>>)
        %dma_start3A_688 = arith.constant 0 : i32
        %dma_start3A_689 = arith.constant 0 : i32
        %dma_start3A_690 = arith.constant 128 : i32
        %dma_start3A_691 = arith.constant 0 : i32
        %dma_start3A_692 = tpu.memref_slice %arg6[%dma_start3A_688, %dma_start3A_690, %dma_start3A_691] : memref<4x200x128xf32, #tpu.memory_space<vmem>> -> memref<1x72x128xf32, #tpu.memory_space<vmem>>
        %dma_start3A_693 = tpu.memref_squeeze %dma_start3A_692 : memref<1x72x128xf32, #tpu.memory_space<vmem>> -> memref<72x128xf32, #tpu.memory_space<vmem>>
        %dma_start3A_694 = arith.constant 128 : i32
        %dma_start3A_695 = tpu.memref_slice %arg5[%rem3A_671, %rem3A_673, %dma_start3A_694] : memref<2x32x200xi32, #tpu.memory_space<vmem>> -> memref<1x1x72xi32, #tpu.memory_space<vmem>>
        %dma_start3A_696 = tpu.memref_squeeze %dma_start3A_695 : memref<1x1x72xi32, #tpu.memory_space<vmem>> -> memref<72xi32, #tpu.memory_space<vmem>>
        %dma_start3A_697 = arith.constant 0 : i32
        %dma_start3A_698 = arith.constant 0 : i32
        %dma_start3A_699 = tpu.memref_slice %arg3[%dma_start3A_697, %dma_start3A_698] : memref<1000000x128xf32, #tpu.memory_space<hbm>> -> memref<1000000x128xf32, #tpu.memory_space<hbm>>
        %dma_start3A_700 = tpu.memref_slice %arg7[%dma_start3A_689] : memref<4x!tpu.dma_semaphore, #tpu.memory_space<semaphore_mem>> -> memref<1x!tpu.dma_semaphore, #tpu.memory_space<semaphore_mem>>
        %dma_start3A_701 = tpu.memref_squeeze %dma_start3A_700 : memref<1x!tpu.dma_semaphore, #tpu.memory_space<semaphore_mem>> -> memref<!tpu.dma_semaphore, #tpu.memory_space<semaphore_mem>>
        tpu.enqueue_indirect_dma source(%dma_start3A_699 : memref<1000000x128xf32, #tpu.memory_space<hbm>>) target(%dma_start3A_693 : memref<72x128xf32, #tpu.memory_space<vmem>>) offsets(%dma_start3A_696 : memref<72xi32, #tpu.memory_space<vmem>>) semaphore(%dma_start3A_701 : memref<!tpu.dma_semaphore, #tpu.memory_space<semaphore_mem>>)
      } else {
      }
      %jit3A_397 = arith.constant 32 : i32
      %div3A_398 = arith.divsi %add3A_384, %jit3A_397 : i32
      %sign3A_399 = arith.constant 0 : i32
      %sign3A_400 = arith.cmpi sgt, %add3A_384, %sign3A_399 : i32
      %sign3A_401 = arith.extui %sign3A_400 : i1 to i32
      %sign3A_402 = arith.constant 0 : i32
      %sign3A_403 = arith.cmpi slt, %add3A_384, %sign3A_402 : i32
      %sign3A_404 = arith.extui %sign3A_403 : i1 to i32
      %sign3A_405 = arith.subi %sign3A_401, %sign3A_404 : i32
      %sign3A_406 = arith.constant 0 : i32
      %sign3A_407 = arith.cmpi sgt, %jit3A_397, %sign3A_406 : i32
      %sign3A_408 = arith.extui %sign3A_407 : i1 to i32
      %sign3A_409 = arith.constant 0 : i32
      %sign3A_410 = arith.cmpi slt, %jit3A_397, %sign3A_409 : i32
      %sign3A_411 = arith.extui %sign3A_410 : i1 to i32
      %sign3A_412 = arith.subi %sign3A_408, %sign3A_411 : i32
      %ne3A_413 = arith.cmpi ne, %sign3A_405, %sign3A_412 : i32
      %rem3A_414 = arith.remsi %add3A_384, %jit3A_397 : i32
      %ne3A_415 = arith.constant 0 : i32
      %ne3A_416 = arith.cmpi ne, %rem3A_414, %ne3A_415 : i32
      %and3A_417 = arith.andi %ne3A_413, %ne3A_416 : i1
      %sub3A_418 = arith.constant 1 : i32
      %sub3A_419 = arith.subi %div3A_398, %sub3A_418 : i32
      %select_n3A_420 = arith.select %and3A_417, %sub3A_419, %div3A_398 : i32
      %rem3A_421 = arith.constant 2 : i32
      %rem3A_422 = arith.remsi %select_n3A_420, %rem3A_421 : i32
      %rem3A_423 = arith.constant 32 : i32
      %rem3A_424 = arith.remsi %add3A_384, %rem3A_423 : i32
      %dma_wait3A_425 = arith.constant 2 : i32
      %dma_wait3A_426 = arith.constant 2 : i32
      %dma_wait3A_427 = arith.constant 0 : i32
      %dma_wait3A_428 = arith.constant 0 : i32
      %dma_wait3A_429 = tpu.memref_slice %arg6[%dma_wait3A_425, %dma_wait3A_427, %dma_wait3A_428] : memref<4x200x128xf32, #tpu.memory_space<vmem>> -> memref<1x128x128xf32, #tpu.memory_space<vmem>>
      %dma_wait3A_430 = tpu.memref_squeeze %dma_wait3A_429 : memref<1x128x128xf32, #tpu.memory_space<vmem>> -> memref<128x128xf32, #tpu.memory_space<vmem>>
      %dma_wait3A_431 = arith.constant 0 : i32
      %dma_wait3A_432 = tpu.memref_slice %arg5[%rem3A_422, %rem3A_424, %dma_wait3A_431] : memref<2x32x200xi32, #tpu.memory_space<vmem>> -> memref<1x1x128xi32, #tpu.memory_space<vmem>>
      %dma_wait3A_433 = tpu.memref_squeeze %dma_wait3A_432 : memref<1x1x128xi32, #tpu.memory_space<vmem>> -> memref<128xi32, #tpu.memory_space<vmem>>
      %dma_wait3A_434 = arith.constant 0 : i32
      %dma_wait3A_435 = arith.constant 0 : i32
      %dma_wait3A_436 = tpu.memref_slice %arg3[%dma_wait3A_434, %dma_wait3A_435] : memref<1000000x128xf32, #tpu.memory_space<hbm>> -> memref<1000000x128xf32, #tpu.memory_space<hbm>>
      %dma_wait3A_437 = tpu.memref_slice %arg7[%dma_wait3A_426] : memref<4x!tpu.dma_semaphore, #tpu.memory_space<semaphore_mem>> -> memref<1x!tpu.dma_semaphore, #tpu.memory_space<semaphore_mem>>
      %dma_wait3A_438 = tpu.memref_squeeze %dma_wait3A_437 : memref<1x!tpu.dma_semaphore, #tpu.memory_space<semaphore_mem>> -> memref<!tpu.dma_semaphore, #tpu.memory_space<semaphore_mem>>
      tpu.wait_indirect_dma semaphore(%dma_wait3A_438 : memref<!tpu.dma_semaphore, #tpu.memory_space<semaphore_mem>>) src(%dma_wait3A_436 : memref<1000000x128xf32, #tpu.memory_space<hbm>>) dst(%dma_wait3A_430 : memref<128x128xf32, #tpu.memory_space<vmem>>)
      %dma_wait3A_439 = arith.constant 2 : i32
      %dma_wait3A_440 = arith.constant 2 : i32
      %dma_wait3A_441 = arith.constant 128 : i32
      %dma_wait3A_442 = arith.constant 0 : i32
      %dma_wait3A_443 = tpu.memref_slice %arg6[%dma_wait3A_439, %dma_wait3A_441, %dma_wait3A_442] : memref<4x200x128xf32, #tpu.memory_space<vmem>> -> memref<1x72x128xf32, #tpu.memory_space<vmem>>
      %dma_wait3A_444 = tpu.memref_squeeze %dma_wait3A_443 : memref<1x72x128xf32, #tpu.memory_space<vmem>> -> memref<72x128xf32, #tpu.memory_space<vmem>>
      %dma_wait3A_445 = arith.constant 128 : i32
      %dma_wait3A_446 = tpu.memref_slice %arg5[%rem3A_422, %rem3A_424, %dma_wait3A_445] : memref<2x32x200xi32, #tpu.memory_space<vmem>> -> memref<1x1x72xi32, #tpu.memory_space<vmem>>
      %dma_wait3A_447 = tpu.memref_squeeze %dma_wait3A_446 : memref<1x1x72xi32, #tpu.memory_space<vmem>> -> memref<72xi32, #tpu.memory_space<vmem>>
      %dma_wait3A_448 = arith.constant 0 : i32
      %dma_wait3A_449 = arith.constant 0 : i32
      %dma_wait3A_450 = tpu.memref_slice %arg3[%dma_wait3A_448, %dma_wait3A_449] : memref<1000000x128xf32, #tpu.memory_space<hbm>> -> memref<1000000x128xf32, #tpu.memory_space<hbm>>
      %dma_wait3A_451 = tpu.memref_slice %arg7[%dma_wait3A_440] : memref<4x!tpu.dma_semaphore, #tpu.memory_space<semaphore_mem>> -> memref<1x!tpu.dma_semaphore, #tpu.memory_space<semaphore_mem>>
      %dma_wait3A_452 = tpu.memref_squeeze %dma_wait3A_451 : memref<1x!tpu.dma_semaphore, #tpu.memory_space<semaphore_mem>> -> memref<!tpu.dma_semaphore, #tpu.memory_space<semaphore_mem>>
      tpu.wait_indirect_dma semaphore(%dma_wait3A_452 : memref<!tpu.dma_semaphore, #tpu.memory_space<semaphore_mem>>) src(%dma_wait3A_450 : memref<1000000x128xf32, #tpu.memory_space<hbm>>) dst(%dma_wait3A_444 : memref<72x128xf32, #tpu.memory_space<vmem>>)
      %add3A_453 = arith.addi %mul3A_2, %add3A_384 : i32
      %dma_start3A_454 = arith.constant 2 : i32
      %dma_start3A_455 = arith.constant 2 : i32
      %dma_start3A_456 = arith.constant 0 : i32
      %dma_start3A_457 = arith.constant 0 : i32
      %dma_start3A_458 = tpu.memref_slice %arg6[%dma_start3A_454, %dma_start3A_456, %dma_start3A_457] : memref<4x200x128xf32, #tpu.memory_space<vmem>> -> memref<1x200x128xf32, #tpu.memory_space<vmem>>
      %dma_start3A_459 = tpu.memref_squeeze %dma_start3A_458 : memref<1x200x128xf32, #tpu.memory_space<vmem>> -> memref<200x128xf32, #tpu.memory_space<vmem>>
      %dma_start3A_460 = arith.constant 0 : i32
      %dma_start3A_461 = arith.constant 0 : i32
      %dma_start3A_462 = tpu.memref_slice %arg4[%add3A_453, %dma_start3A_460, %dma_start3A_461] : memref<16384x200x128xf32, #tpu.memory_space<hbm>> -> memref<1x200x128xf32, #tpu.memory_space<hbm>>
      %dma_start3A_463 = tpu.memref_squeeze %dma_start3A_462 : memref<1x200x128xf32, #tpu.memory_space<hbm>> -> memref<200x128xf32, #tpu.memory_space<hbm>>
      %dma_start3A_464 = tpu.memref_slice %arg8[%dma_start3A_455] : memref<4x!tpu.dma_semaphore, #tpu.memory_space<semaphore_mem>> -> memref<1x!tpu.dma_semaphore, #tpu.memory_space<semaphore_mem>>
      %dma_start3A_465 = tpu.memref_squeeze %dma_start3A_464 : memref<1x!tpu.dma_semaphore, #tpu.memory_space<semaphore_mem>> -> memref<!tpu.dma_semaphore, #tpu.memory_space<semaphore_mem>>
      %dma_start3A_466 = arith.constant 0 : i32
      %dma_start3A_467 = arith.constant 0 : i32
      %dma_start3A_468 = tpu.memref_slice %arg4[%add3A_453, %dma_start3A_466, %dma_start3A_467] : memref<16384x200x128xf32, #tpu.memory_space<hbm>> -> memref<1x200x128xf32, #tpu.memory_space<hbm>>
      %dma_start3A_469 = tpu.memref_squeeze %dma_start3A_468 : memref<1x200x128xf32, #tpu.memory_space<hbm>> -> memref<200x128xf32, #tpu.memory_space<hbm>>
      %dma_start3A_470 = arith.constant 0 : i32
      %dma_start3A_471 = arith.constant 0 : i32
      %dma_start3A_472 = tpu.memref_slice %arg6[%dma_start3A_454, %dma_start3A_470, %dma_start3A_471] : memref<4x200x128xf32, #tpu.memory_space<vmem>> -> memref<1x200x128xf32, #tpu.memory_space<vmem>>
      %dma_start3A_473 = tpu.memref_squeeze %dma_start3A_472 : memref<1x200x128xf32, #tpu.memory_space<vmem>> -> memref<200x128xf32, #tpu.memory_space<vmem>>
      tpu.enqueue_dma source(%dma_start3A_473 : memref<200x128xf32, #tpu.memory_space<vmem>>) target(%dma_start3A_469 : memref<200x128xf32, #tpu.memory_space<hbm>>) target_semaphore(%dma_start3A_465 : memref<!tpu.dma_semaphore, #tpu.memory_space<semaphore_mem>>)
      %rem3A_474 = arith.constant 32 : i32
      %rem3A_475 = arith.remsi %add3A_384, %rem3A_474 : i32
      %eq3A_476 = arith.constant 31 : i32
      %eq3A_477 = arith.cmpi eq, %rem3A_475, %eq3A_476 : i32
      %jit3A_478 = arith.constant 32 : i32
      %div3A_479 = arith.divsi %add3A_384, %jit3A_478 : i32
      %sign3A_480 = arith.constant 0 : i32
      %sign3A_481 = arith.cmpi sgt, %add3A_384, %sign3A_480 : i32
      %sign3A_482 = arith.extui %sign3A_481 : i1 to i32
      %sign3A_483 = arith.constant 0 : i32
      %sign3A_484 = arith.cmpi slt, %add3A_384, %sign3A_483 : i32
      %sign3A_485 = arith.extui %sign3A_484 : i1 to i32
      %sign3A_486 = arith.subi %sign3A_482, %sign3A_485 : i32
      %sign3A_487 = arith.constant 0 : i32
      %sign3A_488 = arith.cmpi sgt, %jit3A_478, %sign3A_487 : i32
      %sign3A_489 = arith.extui %sign3A_488 : i1 to i32
      %sign3A_490 = arith.constant 0 : i32
      %sign3A_491 = arith.cmpi slt, %jit3A_478, %sign3A_490 : i32
      %sign3A_492 = arith.extui %sign3A_491 : i1 to i32
      %sign3A_493 = arith.subi %sign3A_489, %sign3A_492 : i32
      %ne3A_494 = arith.cmpi ne, %sign3A_486, %sign3A_493 : i32
      %rem3A_495 = arith.remsi %add3A_384, %jit3A_478 : i32
      %ne3A_496 = arith.constant 0 : i32
      %ne3A_497 = arith.cmpi ne, %rem3A_495, %ne3A_496 : i32
      %and3A_498 = arith.andi %ne3A_494, %ne3A_497 : i1
      %sub3A_499 = arith.constant 1 : i32
      %sub3A_500 = arith.subi %div3A_479, %sub3A_499 : i32
      %select_n3A_501 = arith.select %and3A_498, %sub3A_500, %div3A_479 : i32
      %add3A_502 = arith.constant 2 : i32
      %add3A_503 = arith.addi %select_n3A_501, %add3A_502 : i32
      %lt3A_504 = arith.constant 16 : i32
      %lt3A_505 = arith.cmpi slt, %add3A_503, %lt3A_504 : i32
      %and3A_506 = arith.andi %eq3A_477, %lt3A_505 : i1
      %convert_element_type3A_507 = arith.extui %and3A_506 : i1 to i32
      %cond3A_508 = arith.constant 0 : i32
      %cond3A_509 = arith.cmpi ne, %convert_element_type3A_507, %cond3A_508 : i32
      scf.if %cond3A_509 {
        %jit3A_639 = arith.constant 32 : i32
        %div3A_640 = arith.divsi %add3A_384, %jit3A_639 : i32
        %sign3A_641 = arith.constant 0 : i32
        %sign3A_642 = arith.cmpi sgt, %add3A_384, %sign3A_641 : i32
        %sign3A_643 = arith.extui %sign3A_642 : i1 to i32
        %sign3A_644 = arith.constant 0 : i32
        %sign3A_645 = arith.cmpi slt, %add3A_384, %sign3A_644 : i32
        %sign3A_646 = arith.extui %sign3A_645 : i1 to i32
        %sign3A_647 = arith.subi %sign3A_643, %sign3A_646 : i32
        %sign3A_648 = arith.constant 0 : i32
        %sign3A_649 = arith.cmpi sgt, %jit3A_639, %sign3A_648 : i32
        %sign3A_650 = arith.extui %sign3A_649 : i1 to i32
        %sign3A_651 = arith.constant 0 : i32
        %sign3A_652 = arith.cmpi slt, %jit3A_639, %sign3A_651 : i32
        %sign3A_653 = arith.extui %sign3A_652 : i1 to i32
        %sign3A_654 = arith.subi %sign3A_650, %sign3A_653 : i32
        %ne3A_655 = arith.cmpi ne, %sign3A_647, %sign3A_654 : i32
        %rem3A_656 = arith.remsi %add3A_384, %jit3A_639 : i32
        %ne3A_657 = arith.constant 0 : i32
        %ne3A_658 = arith.cmpi ne, %rem3A_656, %ne3A_657 : i32
        %and3A_659 = arith.andi %ne3A_655, %ne3A_658 : i1
        %sub3A_660 = arith.constant 1 : i32
        %sub3A_661 = arith.subi %div3A_640, %sub3A_660 : i32
        %select_n3A_662 = arith.select %and3A_659, %sub3A_661, %div3A_640 : i32
        %add3A_663 = arith.constant 2 : i32
        %add3A_664 = arith.addi %select_n3A_662, %add3A_663 : i32
        %mul3A_665 = arith.constant 32 : i32
        %mul3A_666 = arith.muli %add3A_664, %mul3A_665 : i32
        %add3A_667 = arith.addi %mul3A_2, %mul3A_666 : i32
        %rem3A_668 = arith.constant 2 : i32
        %rem3A_669 = arith.remsi %add3A_664, %rem3A_668 : i32
        %dma_start3A_670 = arith.constant 0 : i32
        %dma_start3A_671 = arith.constant 0 : i32
        %dma_start3A_672 = tpu.memref_slice %arg5[%rem3A_669, %dma_start3A_670, %dma_start3A_671] : memref<2x32x200xi32, #tpu.memory_space<vmem>> -> memref<1x32x200xi32, #tpu.memory_space<vmem>>
        %dma_start3A_673 = tpu.memref_squeeze %dma_start3A_672 : memref<1x32x200xi32, #tpu.memory_space<vmem>> -> memref<32x200xi32, #tpu.memory_space<vmem>>
        %dma_start3A_674 = arith.constant 0 : i32
        %dma_start3A_675 = tpu.memref_slice %arg2[%add3A_667, %dma_start3A_674] : memref<16384x200xi32, #tpu.memory_space<hbm>> -> memref<32x200xi32, #tpu.memory_space<hbm>>
        %dma_start3A_676 = arith.constant 0 : i32
        %dma_start3A_677 = arith.constant 0 : i32
        %dma_start3A_678 = tpu.memref_slice %arg5[%rem3A_669, %dma_start3A_676, %dma_start3A_677] : memref<2x32x200xi32, #tpu.memory_space<vmem>> -> memref<1x32x200xi32, #tpu.memory_space<vmem>>
        %dma_start3A_679 = tpu.memref_squeeze %dma_start3A_678 : memref<1x32x200xi32, #tpu.memory_space<vmem>> -> memref<32x200xi32, #tpu.memory_space<vmem>>
        %dma_start3A_680 = arith.constant 0 : i32
        %dma_start3A_681 = tpu.memref_slice %arg2[%add3A_667, %dma_start3A_680] : memref<16384x200xi32, #tpu.memory_space<hbm>> -> memref<32x200xi32, #tpu.memory_space<hbm>>
        tpu.enqueue_dma source(%dma_start3A_681 : memref<32x200xi32, #tpu.memory_space<hbm>>) target(%dma_start3A_679 : memref<32x200xi32, #tpu.memory_space<vmem>>) target_semaphore(%arg9 : memref<!tpu.dma_semaphore, #tpu.memory_space<semaphore_mem>>)
      } else {
      }
      %mul3A_510 = arith.constant 4 : i32
      %mul3A_511 = arith.muli %mul3A_510, %scan3A_134 : i32
      %add3A_512 = arith.constant 3 : i32
      %add3A_513 = arith.addi %mul3A_511, %add3A_512 : i32
      %ge3A_514 = arith.constant 2 : i32
      %ge3A_515 = arith.cmpi sge, %add3A_513, %ge3A_514 : i32
      %convert_element_type3A_516 = arith.extui %ge3A_515 : i1 to i32
      %cond3A_517 = arith.constant 0 : i32
      %cond3A_518 = arith.cmpi ne, %convert_element_type3A_516, %cond3A_517 : i32
      scf.if %cond3A_518 {
        %sub3A_639 = arith.constant 2 : i32
        %sub3A_640 = arith.subi %add3A_513, %sub3A_639 : i32
        %add3A_641 = arith.addi %mul3A_2, %sub3A_640 : i32
        %dma_wait3A_642 = arith.constant 1 : i32
        %dma_wait3A_643 = arith.constant 1 : i32
        %dma_wait3A_644 = arith.constant 0 : i32
        %dma_wait3A_645 = arith.constant 0 : i32
        %dma_wait3A_646 = tpu.memref_slice %arg6[%dma_wait3A_642, %dma_wait3A_644, %dma_wait3A_645] : memref<4x200x128xf32, #tpu.memory_space<vmem>> -> memref<1x200x128xf32, #tpu.memory_space<vmem>>
        %dma_wait3A_647 = tpu.memref_squeeze %dma_wait3A_646 : memref<1x200x128xf32, #tpu.memory_space<vmem>> -> memref<200x128xf32, #tpu.memory_space<vmem>>
        %dma_wait3A_648 = arith.constant 0 : i32
        %dma_wait3A_649 = arith.constant 0 : i32
        %dma_wait3A_650 = tpu.memref_slice %arg4[%add3A_641, %dma_wait3A_648, %dma_wait3A_649] : memref<16384x200x128xf32, #tpu.memory_space<hbm>> -> memref<1x200x128xf32, #tpu.memory_space<hbm>>
        %dma_wait3A_651 = tpu.memref_squeeze %dma_wait3A_650 : memref<1x200x128xf32, #tpu.memory_space<hbm>> -> memref<200x128xf32, #tpu.memory_space<hbm>>
        %dma_wait3A_652 = tpu.memref_slice %arg8[%dma_wait3A_643] : memref<4x!tpu.dma_semaphore, #tpu.memory_space<semaphore_mem>> -> memref<1x!tpu.dma_semaphore, #tpu.memory_space<semaphore_mem>>
        %dma_wait3A_653 = tpu.memref_squeeze %dma_wait3A_652 : memref<1x!tpu.dma_semaphore, #tpu.memory_space<semaphore_mem>> -> memref<!tpu.dma_semaphore, #tpu.memory_space<semaphore_mem>>
        %dma_wait3A_654 = arith.constant 0 : i32
        %dma_wait3A_655 = arith.constant 0 : i32
        %dma_wait3A_656 = tpu.memref_slice %arg4[%add3A_641, %dma_wait3A_654, %dma_wait3A_655] : memref<16384x200x128xf32, #tpu.memory_space<hbm>> -> memref<1x200x128xf32, #tpu.memory_space<hbm>>
        %dma_wait3A_657 = tpu.memref_squeeze %dma_wait3A_656 : memref<1x200x128xf32, #tpu.memory_space<hbm>> -> memref<200x128xf32, #tpu.memory_space<hbm>>
        %dma_wait3A_658 = arith.constant 0 : i32
        %dma_wait3A_659 = arith.constant 0 : i32
        %dma_wait3A_660 = tpu.memref_slice %arg6[%dma_wait3A_642, %dma_wait3A_658, %dma_wait3A_659] : memref<4x200x128xf32, #tpu.memory_space<vmem>> -> memref<1x200x128xf32, #tpu.memory_space<vmem>>
        %dma_wait3A_661 = tpu.memref_squeeze %dma_wait3A_660 : memref<1x200x128xf32, #tpu.memory_space<vmem>> -> memref<200x128xf32, #tpu.memory_space<vmem>>
        tpu.wait_dma2 semaphore(%dma_wait3A_653 : memref<!tpu.dma_semaphore, #tpu.memory_space<semaphore_mem>>) src(%dma_wait3A_661 : memref<200x128xf32, #tpu.memory_space<vmem>>) dst(%dma_wait3A_657 : memref<200x128xf32, #tpu.memory_space<hbm>>)
      } else {
      }
      %add3A_519 = arith.constant 2 : i32
      %add3A_520 = arith.addi %add3A_513, %add3A_519 : i32
      %lt3A_521 = arith.constant 512 : i32
      %lt3A_522 = arith.cmpi slt, %add3A_520, %lt3A_521 : i32
      %convert_element_type3A_523 = arith.extui %lt3A_522 : i1 to i32
      %cond3A_524 = arith.constant 0 : i32
      %cond3A_525 = arith.cmpi ne, %convert_element_type3A_523, %cond3A_524 : i32
      scf.if %cond3A_525 {
        %rem3A_639 = arith.constant 32 : i32
        %rem3A_640 = arith.remsi %add3A_520, %rem3A_639 : i32
        %eq3A_641 = arith.constant 0 : i32
        %eq3A_642 = arith.cmpi eq, %rem3A_640, %eq3A_641 : i32
        %convert_element_type3A_643 = arith.extui %eq3A_642 : i1 to i32
        %cond3A_644 = arith.constant 0 : i32
        %cond3A_645 = arith.cmpi ne, %convert_element_type3A_643, %cond3A_644 : i32
        scf.if %cond3A_645 {
          %jit3A_702 = arith.constant 32 : i32
          %div3A_703 = arith.divsi %add3A_520, %jit3A_702 : i32
          %sign3A_704 = arith.constant 0 : i32
          %sign3A_705 = arith.cmpi sgt, %add3A_520, %sign3A_704 : i32
          %sign3A_706 = arith.extui %sign3A_705 : i1 to i32
          %sign3A_707 = arith.constant 0 : i32
          %sign3A_708 = arith.cmpi slt, %add3A_520, %sign3A_707 : i32
          %sign3A_709 = arith.extui %sign3A_708 : i1 to i32
          %sign3A_710 = arith.subi %sign3A_706, %sign3A_709 : i32
          %sign3A_711 = arith.constant 0 : i32
          %sign3A_712 = arith.cmpi sgt, %jit3A_702, %sign3A_711 : i32
          %sign3A_713 = arith.extui %sign3A_712 : i1 to i32
          %sign3A_714 = arith.constant 0 : i32
          %sign3A_715 = arith.cmpi slt, %jit3A_702, %sign3A_714 : i32
          %sign3A_716 = arith.extui %sign3A_715 : i1 to i32
          %sign3A_717 = arith.subi %sign3A_713, %sign3A_716 : i32
          %ne3A_718 = arith.cmpi ne, %sign3A_710, %sign3A_717 : i32
          %rem3A_719 = arith.remsi %add3A_520, %jit3A_702 : i32
          %ne3A_720 = arith.constant 0 : i32
          %ne3A_721 = arith.cmpi ne, %rem3A_719, %ne3A_720 : i32
          %and3A_722 = arith.andi %ne3A_718, %ne3A_721 : i1
          %sub3A_723 = arith.constant 1 : i32
          %sub3A_724 = arith.subi %div3A_703, %sub3A_723 : i32
          %select_n3A_725 = arith.select %and3A_722, %sub3A_724, %div3A_703 : i32
          %mul3A_726 = arith.constant 32 : i32
          %mul3A_727 = arith.muli %select_n3A_725, %mul3A_726 : i32
          %add3A_728 = arith.addi %mul3A_2, %mul3A_727 : i32
          %rem3A_729 = arith.constant 2 : i32
          %rem3A_730 = arith.remsi %select_n3A_725, %rem3A_729 : i32
          %dma_wait3A_731 = arith.constant 0 : i32
          %dma_wait3A_732 = arith.constant 0 : i32
          %dma_wait3A_733 = tpu.memref_slice %arg5[%rem3A_730, %dma_wait3A_731, %dma_wait3A_732] : memref<2x32x200xi32, #tpu.memory_space<vmem>> -> memref<1x32x200xi32, #tpu.memory_space<vmem>>
          %dma_wait3A_734 = tpu.memref_squeeze %dma_wait3A_733 : memref<1x32x200xi32, #tpu.memory_space<vmem>> -> memref<32x200xi32, #tpu.memory_space<vmem>>
          %dma_wait3A_735 = arith.constant 0 : i32
          %dma_wait3A_736 = tpu.memref_slice %arg2[%add3A_728, %dma_wait3A_735] : memref<16384x200xi32, #tpu.memory_space<hbm>> -> memref<32x200xi32, #tpu.memory_space<hbm>>
          %dma_wait3A_737 = arith.constant 0 : i32
          %dma_wait3A_738 = arith.constant 0 : i32
          %dma_wait3A_739 = tpu.memref_slice %arg5[%rem3A_730, %dma_wait3A_737, %dma_wait3A_738] : memref<2x32x200xi32, #tpu.memory_space<vmem>> -> memref<1x32x200xi32, #tpu.memory_space<vmem>>
          %dma_wait3A_740 = tpu.memref_squeeze %dma_wait3A_739 : memref<1x32x200xi32, #tpu.memory_space<vmem>> -> memref<32x200xi32, #tpu.memory_space<vmem>>
          %dma_wait3A_741 = arith.constant 0 : i32
          %dma_wait3A_742 = tpu.memref_slice %arg2[%add3A_728, %dma_wait3A_741] : memref<16384x200xi32, #tpu.memory_space<hbm>> -> memref<32x200xi32, #tpu.memory_space<hbm>>
          tpu.wait_dma2 semaphore(%arg9 : memref<!tpu.dma_semaphore, #tpu.memory_space<semaphore_mem>>) src(%dma_wait3A_742 : memref<32x200xi32, #tpu.memory_space<hbm>>) dst(%dma_wait3A_740 : memref<32x200xi32, #tpu.memory_space<vmem>>)
        } else {
        }
        %jit3A_646 = arith.constant 32 : i32
        %div3A_647 = arith.divsi %add3A_520, %jit3A_646 : i32
        %sign3A_648 = arith.constant 0 : i32
        %sign3A_649 = arith.cmpi sgt, %add3A_520, %sign3A_648 : i32
        %sign3A_650 = arith.extui %sign3A_649 : i1 to i32
        %sign3A_651 = arith.constant 0 : i32
        %sign3A_652 = arith.cmpi slt, %add3A_520, %sign3A_651 : i32
        %sign3A_653 = arith.extui %sign3A_652 : i1 to i32
        %sign3A_654 = arith.subi %sign3A_650, %sign3A_653 : i32
        %sign3A_655 = arith.constant 0 : i32
        %sign3A_656 = arith.cmpi sgt, %jit3A_646, %sign3A_655 : i32
        %sign3A_657 = arith.extui %sign3A_656 : i1 to i32
        %sign3A_658 = arith.constant 0 : i32
        %sign3A_659 = arith.cmpi slt, %jit3A_646, %sign3A_658 : i32
        %sign3A_660 = arith.extui %sign3A_659 : i1 to i32
        %sign3A_661 = arith.subi %sign3A_657, %sign3A_660 : i32
        %ne3A_662 = arith.cmpi ne, %sign3A_654, %sign3A_661 : i32
        %rem3A_663 = arith.remsi %add3A_520, %jit3A_646 : i32
        %ne3A_664 = arith.constant 0 : i32
        %ne3A_665 = arith.cmpi ne, %rem3A_663, %ne3A_664 : i32
        %and3A_666 = arith.andi %ne3A_662, %ne3A_665 : i1
        %sub3A_667 = arith.constant 1 : i32
        %sub3A_668 = arith.subi %div3A_647, %sub3A_667 : i32
        %select_n3A_669 = arith.select %and3A_666, %sub3A_668, %div3A_647 : i32
        %rem3A_670 = arith.constant 2 : i32
        %rem3A_671 = arith.remsi %select_n3A_669, %rem3A_670 : i32
        %rem3A_672 = arith.constant 32 : i32
        %rem3A_673 = arith.remsi %add3A_520, %rem3A_672 : i32
        %dma_start3A_674 = arith.constant 1 : i32
        %dma_start3A_675 = arith.constant 1 : i32
        %dma_start3A_676 = arith.constant 0 : i32
        %dma_start3A_677 = arith.constant 0 : i32
        %dma_start3A_678 = tpu.memref_slice %arg6[%dma_start3A_674, %dma_start3A_676, %dma_start3A_677] : memref<4x200x128xf32, #tpu.memory_space<vmem>> -> memref<1x128x128xf32, #tpu.memory_space<vmem>>
        %dma_start3A_679 = tpu.memref_squeeze %dma_start3A_678 : memref<1x128x128xf32, #tpu.memory_space<vmem>> -> memref<128x128xf32, #tpu.memory_space<vmem>>
        %dma_start3A_680 = arith.constant 0 : i32
        %dma_start3A_681 = tpu.memref_slice %arg5[%rem3A_671, %rem3A_673, %dma_start3A_680] : memref<2x32x200xi32, #tpu.memory_space<vmem>> -> memref<1x1x128xi32, #tpu.memory_space<vmem>>
        %dma_start3A_682 = tpu.memref_squeeze %dma_start3A_681 : memref<1x1x128xi32, #tpu.memory_space<vmem>> -> memref<128xi32, #tpu.memory_space<vmem>>
        %dma_start3A_683 = arith.constant 0 : i32
        %dma_start3A_684 = arith.constant 0 : i32
        %dma_start3A_685 = tpu.memref_slice %arg3[%dma_start3A_683, %dma_start3A_684] : memref<1000000x128xf32, #tpu.memory_space<hbm>> -> memref<1000000x128xf32, #tpu.memory_space<hbm>>
        %dma_start3A_686 = tpu.memref_slice %arg7[%dma_start3A_675] : memref<4x!tpu.dma_semaphore, #tpu.memory_space<semaphore_mem>> -> memref<1x!tpu.dma_semaphore, #tpu.memory_space<semaphore_mem>>
        %dma_start3A_687 = tpu.memref_squeeze %dma_start3A_686 : memref<1x!tpu.dma_semaphore, #tpu.memory_space<semaphore_mem>> -> memref<!tpu.dma_semaphore, #tpu.memory_space<semaphore_mem>>
        tpu.enqueue_indirect_dma source(%dma_start3A_685 : memref<1000000x128xf32, #tpu.memory_space<hbm>>) target(%dma_start3A_679 : memref<128x128xf32, #tpu.memory_space<vmem>>) offsets(%dma_start3A_682 : memref<128xi32, #tpu.memory_space<vmem>>) semaphore(%dma_start3A_687 : memref<!tpu.dma_semaphore, #tpu.memory_space<semaphore_mem>>)
        %dma_start3A_688 = arith.constant 1 : i32
        %dma_start3A_689 = arith.constant 1 : i32
        %dma_start3A_690 = arith.constant 128 : i32
        %dma_start3A_691 = arith.constant 0 : i32
        %dma_start3A_692 = tpu.memref_slice %arg6[%dma_start3A_688, %dma_start3A_690, %dma_start3A_691] : memref<4x200x128xf32, #tpu.memory_space<vmem>> -> memref<1x72x128xf32, #tpu.memory_space<vmem>>
        %dma_start3A_693 = tpu.memref_squeeze %dma_start3A_692 : memref<1x72x128xf32, #tpu.memory_space<vmem>> -> memref<72x128xf32, #tpu.memory_space<vmem>>
        %dma_start3A_694 = arith.constant 128 : i32
        %dma_start3A_695 = tpu.memref_slice %arg5[%rem3A_671, %rem3A_673, %dma_start3A_694] : memref<2x32x200xi32, #tpu.memory_space<vmem>> -> memref<1x1x72xi32, #tpu.memory_space<vmem>>
        %dma_start3A_696 = tpu.memref_squeeze %dma_start3A_695 : memref<1x1x72xi32, #tpu.memory_space<vmem>> -> memref<72xi32, #tpu.memory_space<vmem>>
        %dma_start3A_697 = arith.constant 0 : i32
        %dma_start3A_698 = arith.constant 0 : i32
        %dma_start3A_699 = tpu.memref_slice %arg3[%dma_start3A_697, %dma_start3A_698] : memref<1000000x128xf32, #tpu.memory_space<hbm>> -> memref<1000000x128xf32, #tpu.memory_space<hbm>>
        %dma_start3A_700 = tpu.memref_slice %arg7[%dma_start3A_689] : memref<4x!tpu.dma_semaphore, #tpu.memory_space<semaphore_mem>> -> memref<1x!tpu.dma_semaphore, #tpu.memory_space<semaphore_mem>>
        %dma_start3A_701 = tpu.memref_squeeze %dma_start3A_700 : memref<1x!tpu.dma_semaphore, #tpu.memory_space<semaphore_mem>> -> memref<!tpu.dma_semaphore, #tpu.memory_space<semaphore_mem>>
        tpu.enqueue_indirect_dma source(%dma_start3A_699 : memref<1000000x128xf32, #tpu.memory_space<hbm>>) target(%dma_start3A_693 : memref<72x128xf32, #tpu.memory_space<vmem>>) offsets(%dma_start3A_696 : memref<72xi32, #tpu.memory_space<vmem>>) semaphore(%dma_start3A_701 : memref<!tpu.dma_semaphore, #tpu.memory_space<semaphore_mem>>)
      } else {
      }
      %jit3A_526 = arith.constant 32 : i32
      %div3A_527 = arith.divsi %add3A_513, %jit3A_526 : i32
      %sign3A_528 = arith.constant 0 : i32
      %sign3A_529 = arith.cmpi sgt, %add3A_513, %sign3A_528 : i32
      %sign3A_530 = arith.extui %sign3A_529 : i1 to i32
      %sign3A_531 = arith.constant 0 : i32
      %sign3A_532 = arith.cmpi slt, %add3A_513, %sign3A_531 : i32
      %sign3A_533 = arith.extui %sign3A_532 : i1 to i32
      %sign3A_534 = arith.subi %sign3A_530, %sign3A_533 : i32
      %sign3A_535 = arith.constant 0 : i32
      %sign3A_536 = arith.cmpi sgt, %jit3A_526, %sign3A_535 : i32
      %sign3A_537 = arith.extui %sign3A_536 : i1 to i32
      %sign3A_538 = arith.constant 0 : i32
      %sign3A_539 = arith.cmpi slt, %jit3A_526, %sign3A_538 : i32
      %sign3A_540 = arith.extui %sign3A_539 : i1 to i32
      %sign3A_541 = arith.subi %sign3A_537, %sign3A_540 : i32
      %ne3A_542 = arith.cmpi ne, %sign3A_534, %sign3A_541 : i32
      %rem3A_543 = arith.remsi %add3A_513, %jit3A_526 : i32
      %ne3A_544 = arith.constant 0 : i32
      %ne3A_545 = arith.cmpi ne, %rem3A_543, %ne3A_544 : i32
      %and3A_546 = arith.andi %ne3A_542, %ne3A_545 : i1
      %sub3A_547 = arith.constant 1 : i32
      %sub3A_548 = arith.subi %div3A_527, %sub3A_547 : i32
      %select_n3A_549 = arith.select %and3A_546, %sub3A_548, %div3A_527 : i32
      %rem3A_550 = arith.constant 2 : i32
      %rem3A_551 = arith.remsi %select_n3A_549, %rem3A_550 : i32
      %rem3A_552 = arith.constant 32 : i32
      %rem3A_553 = arith.remsi %add3A_513, %rem3A_552 : i32
      %dma_wait3A_554 = arith.constant 3 : i32
      %dma_wait3A_555 = arith.constant 3 : i32
      %dma_wait3A_556 = arith.constant 0 : i32
      %dma_wait3A_557 = arith.constant 0 : i32
      %dma_wait3A_558 = tpu.memref_slice %arg6[%dma_wait3A_554, %dma_wait3A_556, %dma_wait3A_557] : memref<4x200x128xf32, #tpu.memory_space<vmem>> -> memref<1x128x128xf32, #tpu.memory_space<vmem>>
      %dma_wait3A_559 = tpu.memref_squeeze %dma_wait3A_558 : memref<1x128x128xf32, #tpu.memory_space<vmem>> -> memref<128x128xf32, #tpu.memory_space<vmem>>
      %dma_wait3A_560 = arith.constant 0 : i32
      %dma_wait3A_561 = tpu.memref_slice %arg5[%rem3A_551, %rem3A_553, %dma_wait3A_560] : memref<2x32x200xi32, #tpu.memory_space<vmem>> -> memref<1x1x128xi32, #tpu.memory_space<vmem>>
      %dma_wait3A_562 = tpu.memref_squeeze %dma_wait3A_561 : memref<1x1x128xi32, #tpu.memory_space<vmem>> -> memref<128xi32, #tpu.memory_space<vmem>>
      %dma_wait3A_563 = arith.constant 0 : i32
      %dma_wait3A_564 = arith.constant 0 : i32
      %dma_wait3A_565 = tpu.memref_slice %arg3[%dma_wait3A_563, %dma_wait3A_564] : memref<1000000x128xf32, #tpu.memory_space<hbm>> -> memref<1000000x128xf32, #tpu.memory_space<hbm>>
      %dma_wait3A_566 = tpu.memref_slice %arg7[%dma_wait3A_555] : memref<4x!tpu.dma_semaphore, #tpu.memory_space<semaphore_mem>> -> memref<1x!tpu.dma_semaphore, #tpu.memory_space<semaphore_mem>>
      %dma_wait3A_567 = tpu.memref_squeeze %dma_wait3A_566 : memref<1x!tpu.dma_semaphore, #tpu.memory_space<semaphore_mem>> -> memref<!tpu.dma_semaphore, #tpu.memory_space<semaphore_mem>>
      tpu.wait_indirect_dma semaphore(%dma_wait3A_567 : memref<!tpu.dma_semaphore, #tpu.memory_space<semaphore_mem>>) src(%dma_wait3A_565 : memref<1000000x128xf32, #tpu.memory_space<hbm>>) dst(%dma_wait3A_559 : memref<128x128xf32, #tpu.memory_space<vmem>>)
      %dma_wait3A_568 = arith.constant 3 : i32
      %dma_wait3A_569 = arith.constant 3 : i32
      %dma_wait3A_570 = arith.constant 128 : i32
      %dma_wait3A_571 = arith.constant 0 : i32
      %dma_wait3A_572 = tpu.memref_slice %arg6[%dma_wait3A_568, %dma_wait3A_570, %dma_wait3A_571] : memref<4x200x128xf32, #tpu.memory_space<vmem>> -> memref<1x72x128xf32, #tpu.memory_space<vmem>>
      %dma_wait3A_573 = tpu.memref_squeeze %dma_wait3A_572 : memref<1x72x128xf32, #tpu.memory_space<vmem>> -> memref<72x128xf32, #tpu.memory_space<vmem>>
      %dma_wait3A_574 = arith.constant 128 : i32
      %dma_wait3A_575 = tpu.memref_slice %arg5[%rem3A_551, %rem3A_553, %dma_wait3A_574] : memref<2x32x200xi32, #tpu.memory_space<vmem>> -> memref<1x1x72xi32, #tpu.memory_space<vmem>>
      %dma_wait3A_576 = tpu.memref_squeeze %dma_wait3A_575 : memref<1x1x72xi32, #tpu.memory_space<vmem>> -> memref<72xi32, #tpu.memory_space<vmem>>
      %dma_wait3A_577 = arith.constant 0 : i32
      %dma_wait3A_578 = arith.constant 0 : i32
      %dma_wait3A_579 = tpu.memref_slice %arg3[%dma_wait3A_577, %dma_wait3A_578] : memref<1000000x128xf32, #tpu.memory_space<hbm>> -> memref<1000000x128xf32, #tpu.memory_space<hbm>>
      %dma_wait3A_580 = tpu.memref_slice %arg7[%dma_wait3A_569] : memref<4x!tpu.dma_semaphore, #tpu.memory_space<semaphore_mem>> -> memref<1x!tpu.dma_semaphore, #tpu.memory_space<semaphore_mem>>
      %dma_wait3A_581 = tpu.memref_squeeze %dma_wait3A_580 : memref<1x!tpu.dma_semaphore, #tpu.memory_space<semaphore_mem>> -> memref<!tpu.dma_semaphore, #tpu.memory_space<semaphore_mem>>
      tpu.wait_indirect_dma semaphore(%dma_wait3A_581 : memref<!tpu.dma_semaphore, #tpu.memory_space<semaphore_mem>>) src(%dma_wait3A_579 : memref<1000000x128xf32, #tpu.memory_space<hbm>>) dst(%dma_wait3A_573 : memref<72x128xf32, #tpu.memory_space<vmem>>)
      %add3A_582 = arith.addi %mul3A_2, %add3A_513 : i32
      %dma_start3A_583 = arith.constant 3 : i32
      %dma_start3A_584 = arith.constant 3 : i32
      %dma_start3A_585 = arith.constant 0 : i32
      %dma_start3A_586 = arith.constant 0 : i32
      %dma_start3A_587 = tpu.memref_slice %arg6[%dma_start3A_583, %dma_start3A_585, %dma_start3A_586] : memref<4x200x128xf32, #tpu.memory_space<vmem>> -> memref<1x200x128xf32, #tpu.memory_space<vmem>>
      %dma_start3A_588 = tpu.memref_squeeze %dma_start3A_587 : memref<1x200x128xf32, #tpu.memory_space<vmem>> -> memref<200x128xf32, #tpu.memory_space<vmem>>
      %dma_start3A_589 = arith.constant 0 : i32
      %dma_start3A_590 = arith.constant 0 : i32
      %dma_start3A_591 = tpu.memref_slice %arg4[%add3A_582, %dma_start3A_589, %dma_start3A_590] : memref<16384x200x128xf32, #tpu.memory_space<hbm>> -> memref<1x200x128xf32, #tpu.memory_space<hbm>>
      %dma_start3A_592 = tpu.memref_squeeze %dma_start3A_591 : memref<1x200x128xf32, #tpu.memory_space<hbm>> -> memref<200x128xf32, #tpu.memory_space<hbm>>
      %dma_start3A_593 = tpu.memref_slice %arg8[%dma_start3A_584] : memref<4x!tpu.dma_semaphore, #tpu.memory_space<semaphore_mem>> -> memref<1x!tpu.dma_semaphore, #tpu.memory_space<semaphore_mem>>
      %dma_start3A_594 = tpu.memref_squeeze %dma_start3A_593 : memref<1x!tpu.dma_semaphore, #tpu.memory_space<semaphore_mem>> -> memref<!tpu.dma_semaphore, #tpu.memory_space<semaphore_mem>>
      %dma_start3A_595 = arith.constant 0 : i32
      %dma_start3A_596 = arith.constant 0 : i32
      %dma_start3A_597 = tpu.memref_slice %arg4[%add3A_582, %dma_start3A_595, %dma_start3A_596] : memref<16384x200x128xf32, #tpu.memory_space<hbm>> -> memref<1x200x128xf32, #tpu.memory_space<hbm>>
      %dma_start3A_598 = tpu.memref_squeeze %dma_start3A_597 : memref<1x200x128xf32, #tpu.memory_space<hbm>> -> memref<200x128xf32, #tpu.memory_space<hbm>>
      %dma_start3A_599 = arith.constant 0 : i32
      %dma_start3A_600 = arith.constant 0 : i32
      %dma_start3A_601 = tpu.memref_slice %arg6[%dma_start3A_583, %dma_start3A_599, %dma_start3A_600] : memref<4x200x128xf32, #tpu.memory_space<vmem>> -> memref<1x200x128xf32, #tpu.memory_space<vmem>>
      %dma_start3A_602 = tpu.memref_squeeze %dma_start3A_601 : memref<1x200x128xf32, #tpu.memory_space<vmem>> -> memref<200x128xf32, #tpu.memory_space<vmem>>
      tpu.enqueue_dma source(%dma_start3A_602 : memref<200x128xf32, #tpu.memory_space<vmem>>) target(%dma_start3A_598 : memref<200x128xf32, #tpu.memory_space<hbm>>) target_semaphore(%dma_start3A_594 : memref<!tpu.dma_semaphore, #tpu.memory_space<semaphore_mem>>)
      %rem3A_603 = arith.constant 32 : i32
      %rem3A_604 = arith.remsi %add3A_513, %rem3A_603 : i32
      %eq3A_605 = arith.constant 31 : i32
      %eq3A_606 = arith.cmpi eq, %rem3A_604, %eq3A_605 : i32
      %jit3A_607 = arith.constant 32 : i32
      %div3A_608 = arith.divsi %add3A_513, %jit3A_607 : i32
      %sign3A_609 = arith.constant 0 : i32
      %sign3A_610 = arith.cmpi sgt, %add3A_513, %sign3A_609 : i32
      %sign3A_611 = arith.extui %sign3A_610 : i1 to i32
      %sign3A_612 = arith.constant 0 : i32
      %sign3A_613 = arith.cmpi slt, %add3A_513, %sign3A_612 : i32
      %sign3A_614 = arith.extui %sign3A_613 : i1 to i32
      %sign3A_615 = arith.subi %sign3A_611, %sign3A_614 : i32
      %sign3A_616 = arith.constant 0 : i32
      %sign3A_617 = arith.cmpi sgt, %jit3A_607, %sign3A_616 : i32
      %sign3A_618 = arith.extui %sign3A_617 : i1 to i32
      %sign3A_619 = arith.constant 0 : i32
      %sign3A_620 = arith.cmpi slt, %jit3A_607, %sign3A_619 : i32
      %sign3A_621 = arith.extui %sign3A_620 : i1 to i32
      %sign3A_622 = arith.subi %sign3A_618, %sign3A_621 : i32
      %ne3A_623 = arith.cmpi ne, %sign3A_615, %sign3A_622 : i32
      %rem3A_624 = arith.remsi %add3A_513, %jit3A_607 : i32
      %ne3A_625 = arith.constant 0 : i32
      %ne3A_626 = arith.cmpi ne, %rem3A_624, %ne3A_625 : i32
      %and3A_627 = arith.andi %ne3A_623, %ne3A_626 : i1
      %sub3A_628 = arith.constant 1 : i32
      %sub3A_629 = arith.subi %div3A_608, %sub3A_628 : i32
      %select_n3A_630 = arith.select %and3A_627, %sub3A_629, %div3A_608 : i32
      %add3A_631 = arith.constant 2 : i32
      %add3A_632 = arith.addi %select_n3A_630, %add3A_631 : i32
      %lt3A_633 = arith.constant 16 : i32
      %lt3A_634 = arith.cmpi slt, %add3A_632, %lt3A_633 : i32
      %and3A_635 = arith.andi %eq3A_606, %lt3A_634 : i1
      %convert_element_type3A_636 = arith.extui %and3A_635 : i1 to i32
      %cond3A_637 = arith.constant 0 : i32
      %cond3A_638 = arith.cmpi ne, %convert_element_type3A_636, %cond3A_637 : i32
      scf.if %cond3A_638 {
        %jit3A_639 = arith.constant 32 : i32
        %div3A_640 = arith.divsi %add3A_513, %jit3A_639 : i32
        %sign3A_641 = arith.constant 0 : i32
        %sign3A_642 = arith.cmpi sgt, %add3A_513, %sign3A_641 : i32
        %sign3A_643 = arith.extui %sign3A_642 : i1 to i32
        %sign3A_644 = arith.constant 0 : i32
        %sign3A_645 = arith.cmpi slt, %add3A_513, %sign3A_644 : i32
        %sign3A_646 = arith.extui %sign3A_645 : i1 to i32
        %sign3A_647 = arith.subi %sign3A_643, %sign3A_646 : i32
        %sign3A_648 = arith.constant 0 : i32
        %sign3A_649 = arith.cmpi sgt, %jit3A_639, %sign3A_648 : i32
        %sign3A_650 = arith.extui %sign3A_649 : i1 to i32
        %sign3A_651 = arith.constant 0 : i32
        %sign3A_652 = arith.cmpi slt, %jit3A_639, %sign3A_651 : i32
        %sign3A_653 = arith.extui %sign3A_652 : i1 to i32
        %sign3A_654 = arith.subi %sign3A_650, %sign3A_653 : i32
        %ne3A_655 = arith.cmpi ne, %sign3A_647, %sign3A_654 : i32
        %rem3A_656 = arith.remsi %add3A_513, %jit3A_639 : i32
        %ne3A_657 = arith.constant 0 : i32
        %ne3A_658 = arith.cmpi ne, %rem3A_656, %ne3A_657 : i32
        %and3A_659 = arith.andi %ne3A_655, %ne3A_658 : i1
        %sub3A_660 = arith.constant 1 : i32
        %sub3A_661 = arith.subi %div3A_640, %sub3A_660 : i32
        %select_n3A_662 = arith.select %and3A_659, %sub3A_661, %div3A_640 : i32
        %add3A_663 = arith.constant 2 : i32
        %add3A_664 = arith.addi %select_n3A_662, %add3A_663 : i32
        %mul3A_665 = arith.constant 32 : i32
        %mul3A_666 = arith.muli %add3A_664, %mul3A_665 : i32
        %add3A_667 = arith.addi %mul3A_2, %mul3A_666 : i32
        %rem3A_668 = arith.constant 2 : i32
        %rem3A_669 = arith.remsi %add3A_664, %rem3A_668 : i32
        %dma_start3A_670 = arith.constant 0 : i32
        %dma_start3A_671 = arith.constant 0 : i32
        %dma_start3A_672 = tpu.memref_slice %arg5[%rem3A_669, %dma_start3A_670, %dma_start3A_671] : memref<2x32x200xi32, #tpu.memory_space<vmem>> -> memref<1x32x200xi32, #tpu.memory_space<vmem>>
        %dma_start3A_673 = tpu.memref_squeeze %dma_start3A_672 : memref<1x32x200xi32, #tpu.memory_space<vmem>> -> memref<32x200xi32, #tpu.memory_space<vmem>>
        %dma_start3A_674 = arith.constant 0 : i32
        %dma_start3A_675 = tpu.memref_slice %arg2[%add3A_667, %dma_start3A_674] : memref<16384x200xi32, #tpu.memory_space<hbm>> -> memref<32x200xi32, #tpu.memory_space<hbm>>
        %dma_start3A_676 = arith.constant 0 : i32
        %dma_start3A_677 = arith.constant 0 : i32
        %dma_start3A_678 = tpu.memref_slice %arg5[%rem3A_669, %dma_start3A_676, %dma_start3A_677] : memref<2x32x200xi32, #tpu.memory_space<vmem>> -> memref<1x32x200xi32, #tpu.memory_space<vmem>>
        %dma_start3A_679 = tpu.memref_squeeze %dma_start3A_678 : memref<1x32x200xi32, #tpu.memory_space<vmem>> -> memref<32x200xi32, #tpu.memory_space<vmem>>
        %dma_start3A_680 = arith.constant 0 : i32
        %dma_start3A_681 = tpu.memref_slice %arg2[%add3A_667, %dma_start3A_680] : memref<16384x200xi32, #tpu.memory_space<hbm>> -> memref<32x200xi32, #tpu.memory_space<hbm>>
        tpu.enqueue_dma source(%dma_start3A_681 : memref<32x200xi32, #tpu.memory_space<hbm>>) target(%dma_start3A_679 : memref<32x200xi32, #tpu.memory_space<vmem>>) target_semaphore(%arg9 : memref<!tpu.dma_semaphore, #tpu.memory_space<semaphore_mem>>)
      } else {
      }
    }
    %scan3A_90 = arith.constant 128 : i32
    %add3A_91 = arith.constant 510 : i32
    %add3A_92 = arith.addi %mul3A_2, %add3A_91 : i32
    %dma_wait3A = arith.constant 2 : i32
    %dma_wait3A_93 = arith.constant 2 : i32
    %dma_wait3A_94 = arith.constant 0 : i32
    %dma_wait3A_95 = arith.constant 0 : i32
    %dma_wait3A_96 = tpu.memref_slice %arg6[%dma_wait3A, %dma_wait3A_94, %dma_wait3A_95] : memref<4x200x128xf32, #tpu.memory_space<vmem>> -> memref<1x200x128xf32, #tpu.memory_space<vmem>>
    %dma_wait3A_97 = tpu.memref_squeeze %dma_wait3A_96 : memref<1x200x128xf32, #tpu.memory_space<vmem>> -> memref<200x128xf32, #tpu.memory_space<vmem>>
    %dma_wait3A_98 = arith.constant 0 : i32
    %dma_wait3A_99 = arith.constant 0 : i32
    %dma_wait3A_100 = tpu.memref_slice %arg4[%add3A_92, %dma_wait3A_98, %dma_wait3A_99] : memref<16384x200x128xf32, #tpu.memory_space<hbm>> -> memref<1x200x128xf32, #tpu.memory_space<hbm>>
    %dma_wait3A_101 = tpu.memref_squeeze %dma_wait3A_100 : memref<1x200x128xf32, #tpu.memory_space<hbm>> -> memref<200x128xf32, #tpu.memory_space<hbm>>
    %dma_wait3A_102 = tpu.memref_slice %arg8[%dma_wait3A_93] : memref<4x!tpu.dma_semaphore, #tpu.memory_space<semaphore_mem>> -> memref<1x!tpu.dma_semaphore, #tpu.memory_space<semaphore_mem>>
    %dma_wait3A_103 = tpu.memref_squeeze %dma_wait3A_102 : memref<1x!tpu.dma_semaphore, #tpu.memory_space<semaphore_mem>> -> memref<!tpu.dma_semaphore, #tpu.memory_space<semaphore_mem>>
    %dma_wait3A_104 = arith.constant 0 : i32
    %dma_wait3A_105 = arith.constant 0 : i32
    %dma_wait3A_106 = tpu.memref_slice %arg4[%add3A_92, %dma_wait3A_104, %dma_wait3A_105] : memref<16384x200x128xf32, #tpu.memory_space<hbm>> -> memref<1x200x128xf32, #tpu.memory_space<hbm>>
    %dma_wait3A_107 = tpu.memref_squeeze %dma_wait3A_106 : memref<1x200x128xf32, #tpu.memory_space<hbm>> -> memref<200x128xf32, #tpu.memory_space<hbm>>
    %dma_wait3A_108 = arith.constant 0 : i32
    %dma_wait3A_109 = arith.constant 0 : i32
    %dma_wait3A_110 = tpu.memref_slice %arg6[%dma_wait3A, %dma_wait3A_108, %dma_wait3A_109] : memref<4x200x128xf32, #tpu.memory_space<vmem>> -> memref<1x200x128xf32, #tpu.memory_space<vmem>>
    %dma_wait3A_111 = tpu.memref_squeeze %dma_wait3A_110 : memref<1x200x128xf32, #tpu.memory_space<vmem>> -> memref<200x128xf32, #tpu.memory_space<vmem>>
    tpu.wait_dma2 semaphore(%dma_wait3A_103 : memref<!tpu.dma_semaphore, #tpu.memory_space<semaphore_mem>>) src(%dma_wait3A_111 : memref<200x128xf32, #tpu.memory_space<vmem>>) dst(%dma_wait3A_107 : memref<200x128xf32, #tpu.memory_space<hbm>>)
    %add3A_112 = arith.constant 511 : i32
    %add3A_113 = arith.addi %mul3A_2, %add3A_112 : i32
    %dma_wait3A_114 = arith.constant 3 : i32
    %dma_wait3A_115 = arith.constant 3 : i32
    %dma_wait3A_116 = arith.constant 0 : i32
    %dma_wait3A_117 = arith.constant 0 : i32
    %dma_wait3A_118 = tpu.memref_slice %arg6[%dma_wait3A_114, %dma_wait3A_116, %dma_wait3A_117] : memref<4x200x128xf32, #tpu.memory_space<vmem>> -> memref<1x200x128xf32, #tpu.memory_space<vmem>>
    %dma_wait3A_119 = tpu.memref_squeeze %dma_wait3A_118 : memref<1x200x128xf32, #tpu.memory_space<vmem>> -> memref<200x128xf32, #tpu.memory_space<vmem>>
    %dma_wait3A_120 = arith.constant 0 : i32
    %dma_wait3A_121 = arith.constant 0 : i32
    %dma_wait3A_122 = tpu.memref_slice %arg4[%add3A_113, %dma_wait3A_120, %dma_wait3A_121] : memref<16384x200x128xf32, #tpu.memory_space<hbm>> -> memref<1x200x128xf32, #tpu.memory_space<hbm>>
    %dma_wait3A_123 = tpu.memref_squeeze %dma_wait3A_122 : memref<1x200x128xf32, #tpu.memory_space<hbm>> -> memref<200x128xf32, #tpu.memory_space<hbm>>
    %dma_wait3A_124 = tpu.memref_slice %arg8[%dma_wait3A_115] : memref<4x!tpu.dma_semaphore, #tpu.memory_space<semaphore_mem>> -> memref<1x!tpu.dma_semaphore, #tpu.memory_space<semaphore_mem>>
    %dma_wait3A_125 = tpu.memref_squeeze %dma_wait3A_124 : memref<1x!tpu.dma_semaphore, #tpu.memory_space<semaphore_mem>> -> memref<!tpu.dma_semaphore, #tpu.memory_space<semaphore_mem>>
    %dma_wait3A_126 = arith.constant 0 : i32
    %dma_wait3A_127 = arith.constant 0 : i32
    %dma_wait3A_128 = tpu.memref_slice %arg4[%add3A_113, %dma_wait3A_126, %dma_wait3A_127] : memref<16384x200x128xf32, #tpu.memory_space<hbm>> -> memref<1x200x128xf32, #tpu.memory_space<hbm>>
    %dma_wait3A_129 = tpu.memref_squeeze %dma_wait3A_128 : memref<1x200x128xf32, #tpu.memory_space<hbm>> -> memref<200x128xf32, #tpu.memory_space<hbm>>
    %dma_wait3A_130 = arith.constant 0 : i32
    %dma_wait3A_131 = arith.constant 0 : i32
    %dma_wait3A_132 = tpu.memref_slice %arg6[%dma_wait3A_114, %dma_wait3A_130, %dma_wait3A_131] : memref<4x200x128xf32, #tpu.memory_space<vmem>> -> memref<1x200x128xf32, #tpu.memory_space<vmem>>
    %dma_wait3A_133 = tpu.memref_squeeze %dma_wait3A_132 : memref<1x200x128xf32, #tpu.memory_space<vmem>> -> memref<200x128xf32, #tpu.memory_space<vmem>>
    tpu.wait_dma2 semaphore(%dma_wait3A_125 : memref<!tpu.dma_semaphore, #tpu.memory_space<semaphore_mem>>) src(%dma_wait3A_133 : memref<200x128xf32, #tpu.memory_space<vmem>>) dst(%dma_wait3A_129 : memref<200x128xf32, #tpu.memory_space<hbm>>)
    return
  }
}

</mosaic_0001>

<sc_bundles>
// kernel: kernel.3.cloned.1.call-start
scs
__scs_entry_jumppad:
0x0: {  	(pc) =	sbr.rel $0x88, $3  }
0x1: {  	(tag) =	ssettag $0x0;
	lr =	simm.s32 $0x1  }
0x2: {  	[smem:$0x3F9F] =	sst lr;
	_ =	strace $0xD0000000  }
0x3: {  	_ = 	snop  }
0x4: {  	_ = 	snop  }
0x5: {  	_ = 	snop  }
0x6: {  	_ = 	snop  }
0x7: {  	_ = 	snop  }
__scs_overlays_trampoline_lowered:
0x8: {  	[smem:$0x3FAE] =	sst s0  }
0x9: {  	[smem:$0x3FAF] =	sst s1  }
0xa: {  	[smem:$0x3FB0] =	sst s2  }
0xb: {  	[smem:$0x3FB1] =	sst s3  }
0xc: {  	[smem:$0x3FB2] =	sst s4  }
0xd: {  	[smem:$0x3FB3] =	sst s5  }
0xe: {  	[smem:$0x3FB4] =	sst s6  }
0xf: {  	[smem:$0x3FB5] =	sst s7  }
0x10: {  	[smem:$0x3FB6] =	sst s8  }
0x11: {  	[smem:$0x3FB7] =	sst s9;
	s0 =	simm.s32 @!p0 $0x0  }
0x12: {  	s1 =	sld [smem:$0x3F9D];
	s0 =	simm.s32 @p0 $0x1  }
0x13: {  	[smem:$0x3FB8] =	sst s0;
	s0 =	simm.s32 @!p1 $0x0  }
0x14: {  	s2 =	sld [smem:$0x3F9C];
	s0 =	simm.s32 @p1 $0x1  }
0x15: {  	[smem:$0x3FB9] =	sst s0;
	s0 =	simm.s32 @!p2 $0x0  }
0x16: {  	s3 =	sld [smem:$0x3FDB];
	s0 =	simm.s32 @p2 $0x1  }
0x17: {  	s4 =	simm.s32 $0x1BF5;
	[smem:$0x3FBB] =	sst s0  }
0x18: {  	s0 =	sld [smem:$0x3F9E];
	_ =	swait.ge [sflag:s4], $0x0  }
0x19: {  	s7 =	sld [smem:$0x3F9F]  }
0x1a: {  	s8 =	sadd.s32 $0xFFFFE003, lr  }
0x1b: {  	s9 =	sadd.s32 $0xFFFFFEF7, lr;
	s5 =	simm.s32 $0xFFFFFFFF;
	p2 =	slt.u32 s8, $0xFFFFF086  }
0x1c: {  	p1 =	slt.u32 s9, $0xF7A;
	s5 =	simm.s32 @!p2 $0x0  }
0x1d: {  	s5 =	simm.s32 @p1 $0x1;
	p0 =	seq.s32 s7, s2  }
0x1e: {  	s7 =	smul.u32 @!p0 $0xF7A, s2;
	p2 =	seq.s32 @!p0 s5, $0x0  }
0x1f: {  	s9 =	smul.u32 $0xF7A, s1;
	s8 =	simm.s32 @!p0 $0x1BF5;
	p2 =	por !p2, p0  }
0x20: {  	[sflag:s8] =	ssyncset.s32 @!p0 $0xFFFFF086;
	s6 =	sadd.s32 @!p0 s3, s7;
	s7 =	simm.s32 @!p0 $0x108  }
0x21: {  	s3 =	sadd.s32 s3, s9;
	s6 =	sadd.s32 @!p0 $0x88, s6;
	s7 =	simm.s32 @p2 $0x1082  }
0x22: {  	[simem:s7], [sflag:s8] =	dma.local @!p0 [hbm:s6], $0xF7A  }
0x23: {  	s9 =	sor.u32 $0xD0000000, s2;
	s6 =	simm.s32 $0x108;
	_ =	swait.ge @!p0 [sflag:s8], $0x0  }
0x24: {  	s3 =	sadd.s32 $0x88, s3;
	s6 =	simm.s32 @!p1 $0x1082;
	[sflag:s4] =	ssyncset.s32 $0xFFFFF086  }
0x25: {  	[simem:s6], [sflag:s4] =	dma.local [hbm:s3], $0xF7A  }
0x26: {  	[smem:$0x3F9F] =	sst s1;
	(tag) =	ssettag s2;
	_ =	strace s9  }
0x27: {  	s1 =	sld [smem:$0x3FAF]  }
0x28: {  	s2 =	sld [smem:$0x3FB0]  }
0x29: {  	s4 =	sld [smem:$0x3FB2]  }
0x2a: {  	p0 =	seq.s32 s5, $0x0;
	s5 =	sld [smem:$0x3FB3]  }
0x2b: {  	s6 =	sld [smem:$0x3FB4]  }
0x2c: {  	s7 =	sld [smem:$0x3FB5]  }
0x2d: {  	s3 =	simm.s32 $0x108;
	s8 =	sld [smem:$0x3FB6]  }
0x2e: {  	s3 =	simm.s32 @!p0 $0x1082;
	s9 =	sld [smem:$0x3FB7]  }
0x2f: {  	lr =	sadd.s32 s0, s3;
	s0 =	sld [smem:$0x3FAE]  }
0x30: {  	s3 =	sld [smem:$0x3FB1]  }
0x31: {  	[smem:$0x3FBA] =	sst s10  }
0x32: {  	s10 =	sld [smem:$0x3FB8];
	_ =	sdelay $0x3  }
0x33: {  	p0 =	seq.s32 s10, $0x1;
	s10 =	sld [smem:$0x3FBA];
	_ =	sdelay $0x3  }
0x34: {  	[smem:$0x3FBA] =	sst s10  }
0x35: {  	s10 =	sld [smem:$0x3FB9];
	_ =	sdelay $0x3  }
0x36: {  	p1 =	seq.s32 s10, $0x1;
	s10 =	sld [smem:$0x3FBA];
	_ =	sdelay $0x3  }
0x37: {  	[smem:$0x3FBA] =	sst s10  }
0x38: {  	s10 =	sld [smem:$0x3FBB]  }
0x39: {  	_ = 	snop;
	(pc) =	sbr.ind lr, $3  }
0x3a: {  	_ = 	snop  }
0x3b: {  	_ = 	snop  }
0x3c: {  	p2 =	seq.s32 s10, $0x1;
	s10 =	sld [smem:$0x3FBA]  }
0x3d: {  	_ =	shalt  }
0x3e: {  	_ =	shalt  }
0x3f: {  	_ =	shalt  }
0x40: {  	_ =	shalt  }
0x41: {  	_ =	shalt  }
0x42: {  	_ =	shalt  }
0x43: {  	_ =	shalt  }
0x44: {  	_ =	shalt  }
0x45: {  	_ =	shalt  }
0x46: {  	_ =	shalt  }
0x47: {  	_ =	shalt  }
0x48: {  	_ =	shalt  }
0x49: {  	_ =	shalt  }
0x4a: {  	_ =	shalt  }
0x4b: {  	_ =	shalt  }
0x4c: {  	_ =	shalt  }
0x4d: {  	_ =	shalt  }
0x4e: {  	_ =	shalt  }
0x4f: {  	_ =	shalt  }
0x50: {  	_ =	shalt  }
0x51: {  	_ =	shalt  }
0x52: {  	_ =	shalt  }
0x53: {  	_ =	shalt  }
0x54: {  	_ =	shalt  }
0x55: {  	_ =	shalt  }
0x56: {  	_ =	shalt  }
0x57: {  	_ =	shalt  }
0x58: {  	_ =	shalt  }
0x59: {  	_ =	shalt  }
0x5a: {  	_ =	shalt  }
0x5b: {  	_ =	shalt  }
0x5c: {  	_ =	shalt  }
0x5d: {  	_ =	shalt  }
0x5e: {  	_ =	shalt  }
0x5f: {  	_ =	shalt  }
0x60: {  	_ =	shalt  }
0x61: {  	_ =	shalt  }
0x62: {  	_ =	shalt  }
0x63: {  	_ =	shalt  }
0x64: {  	_ =	shalt  }
0x65: {  	_ =	shalt  }
0x66: {  	_ =	shalt  }
0x67: {  	_ =	shalt  }
0x68: {  	_ =	shalt  }
0x69: {  	_ =	shalt  }
0x6a: {  	_ =	shalt  }
0x6b: {  	_ =	shalt  }
0x6c: {  	_ =	shalt  }
0x6d: {  	_ =	shalt  }
0x6e: {  	_ =	shalt  }
0x6f: {  	_ =	shalt  }
0x70: {  	_ =	shalt  }
0x71: {  	_ =	shalt  }
0x72: {  	_ =	shalt  }
0x73: {  	_ =	shalt  }
0x74: {  	_ =	shalt  }
0x75: {  	_ =	shalt  }
0x76: {  	_ =	shalt  }
0x77: {  	_ =	shalt  }
0x78: {  	_ =	shalt  }
0x79: {  	_ =	shalt  }
0x7a: {  	_ =	shalt  }
0x7b: {  	_ =	shalt  }
0x7c: {  	_ =	shalt  }
0x7d: {  	_ =	shalt  }
0x7e: {  	_ =	shalt  }
0x7f: {  	_ =	shalt  }
0x80: {  	_ =	shalt  }
0x81: {  	_ =	shalt  }
0x82: {  	_ =	shalt  }
0x83: {  	_ =	shalt  }
0x84: {  	_ =	shalt  }
0x85: {  	_ =	shalt  }
0x86: {  	_ =	shalt  }
0x87: {  	_ =	shalt  }
.Lfunc_end0:
.L_simem_size_0:
called_computation_lowered:
.L_overlay_start_0:
0x88: {  	s2 =	sld [smem:$0x3FD9]  }
0x89: {  	s3 =	sld [smem:$0x3FFE];
	_ =	sdelay $0x1  }
0x8a: {  	s1 =	srdreg.scid  }
0x8b: {  	s0 =	sand.u32 $0x1, s1  }
0x8c: {  	s17 =	sshll.u32 s0, $0xA;
	s2 =	sadd.s32 s3, s2  }
0x8d: {  	s2 =	sadd.s32 s2, s17  }
0x8e: {  	[smem:$0x3FC6] =	sst s2  }
0x8f: {  	_ = 	snop  }
0x90: {  	s2 =	sld [smem:$0x3FC8]  }
0x91: {  	s18 =	sld [smem:$0x3FD0];
	(tm) =	ssettm $0x1  }
0x92: {  	s4 =	sld [smem:$0x3FFB];
	_ =	sdelay $0x3  }
0x93: {  	_ =	strace s4  }
0x94: {  	s4 =	sld [smem:$0x3FFC];
	_ =	sdelay $0x3  }
0x95: {  	_ =	strace s4  }
0x96: {  	s4 =	sld [smem:$0x3FFD];
	_ =	sdelay $0x3  }
0x97: {  	_ =	strace s4  }
0x98: {  	_ =	strace $0x8FFFFFFF  }
0x99: {  	s19 =	sld [smem:$0x3FDB];
	_ =	sdelay $0x1  }
0x9a: {  	s5 =	simm.s32 $_scs_section_size  }
0x9b: {  	s6 =	simm.s32 $_size__tile_overlayer_lowered;
	s7 =	simm.s32 $_tile_overlayer_lowered  }
0x9c: {  	s22 =	simm.s32 $0x1BFF;
	s21 =	sshll.u32 s7, $0x1;
	s4 =	sadd.s32 s5, s19  }
0x9d: {  	s8 =	simm.s32 $0x0;
	s20 =	sshll.u32 s6, $0x1;
	s6 =	sadd.s32 s21, s4  }
0x9e: {  	[timem:s8], [sflag:s22] =	dma.local [hbm:s6], s20  }
0x9f: {  	_ =	swait.ge [sflag:s22], s20  }
0xa0: {  	s5 =	ssub.s32 $0x0, s20;
	[sflag:s22] =	ssyncset.done $0x0  }
0xa1: {  	[sflag:s22] =	ssyncadd.s32 s5;
	_ =	sdelay $0x1  }
0xa2: {  	s23 =	simm.s32 $0x1B8B  }
0xa3: {  	_ =	swait.ge [sflag:s23], $0x1  }
0xa4: {  	[sflag:s23] =	ssyncset.done $0x0  }
0xa5: {  	s25 =	simm.s32 $0x1B8E;
	s24 =	sld [smem:$0x3FFE];
	[sflag:s23] =	ssyncadd.s32 $0xFFFFFFFF  }
0xa6: {  	s26 =	simm.s32 $execute0_lowered;
	[smem:$0x3FD2] =	sst s25  }
0xa7: {  	s6 =	sshll.u32 s26, $0x1;
	_ =	strace $0x80000046;
	[dreg:$0x1] =	wrdreg $0xFFFFFFFF  }
0xa8: {  	s28 =	simm.s32 $_size_execute0_lowered;
	s4 =	sadd.s32 s4, s6;
	[dreg:$0x0] =	wrdreg $0x0  }
0xa9: {  	s6 =	sshll.u32 s28, $0x1;
	[dreg:$0x2] =	wrdreg s4  }
0xaa: {  	[dreg:$0x3] =	wrdreg s6  }
0xab: {  	[dreg:$0x4] =	wrdreg $0xC0  }
0xac: {  	_ =	task [dreg:s8], $0x5FFFF  }
0xad: {  	[dreg:$0x1] =	wrdreg $0xFFFFFFFF  }
0xae: {  	[dreg:$0x0] =	wrdreg $0x60  }
0xaf: {  	[dreg:$0x2] =	wrdreg s24  }
0xb0: {  	[dreg:$0x3] =	wrdreg s2  }
0xb1: {  	[dreg:$0x4] =	wrdreg s18  }
0xb2: {  	[dreg:$0x5] =	wrdreg $0x9  }
0xb3: {  	_ =	task.clear_ibuf [dreg:s8], $0x6FFFF;
	_ =	strace $0x90000046  }
0xb4: {  	s29 =	simm.s32 $0x9;
	_ =	strace $0x80000048  }
0xb5: {  	_ =	swait.ge [sflag:s29], $0x1  }
0xb6: {  	[sflag:s29] =	ssyncadd.s32 $0xFFFFFFFF  }
0xb7: {  	_ =	strace $0x90000048  }
0xb8: {  	_ =	sfence  }
0xb9: {  	s30 =	sld [smem:$0x0];
	_ =	sdelay $0x2  }
0xba: {  	s31 =	sshll.u32 s1, $0xD;
	s1 =	sshrl.u32 s1, $0x2  }
0xbb: {  	s3 =	sand.u32 $0x4000, s31;
	s1 =	sadd.s32 s1, s30  }
0xbc: {  	s0 =	sor.u32 s3, s0;
	s1 =	sshll.u32 s1, $0x11  }
0xbd: {  	s0 =	sor.u32 s1, s0  }
0xbe: {  	s0 =	sadd.s32 $0x8F2B, s0  }
0xbf: {  	[sflag:s0] =	ssyncadd.remote.s32 $0x1  }
0xc0: {  	_ =	sfence.sel $0xFFFF  }
0xc1: {  	[dreg:$0x0] =	wrdreg $0xFFFFFFFF;
	(pc) =	sbr.abs _section_cstart, $3  }
0xc2: {  	[dreg:$0x1] =	wrdreg $0xFFFFFFFF  }
0xc3: {  	_ =	task.clear_ibuf [dreg:s8], $0x2FFFF;
	_ =	strace $0x9FFFFFFF  }
0xc4: {  	(tm) =	ssettm $0x7FFFFFFF  }
0xc5: {  	_ =	shalt  }
tec
execute0_lowered:
.L_overlay_start_1:
0x0: {  	(tag) =	ssettag $0x1  }
0x1: {  	s0 =	rddreg [dreg:$0x0]  }
0x2: {  	s1 =	rddreg [dreg:$0x1]  }
0x3: {  	s2 =	rddreg [dreg:$0x2];
	s3 =	simm.s32 $0x0  }
0x4: {  	s4 =	srdreg.scid;
	s8 =	stileid.u32;
	s10 =	simm.s32 $0x80  }
0x5: {  	s11 =	simm.s32 $0x4000;
	s12 =	simm.s32 $0x48;
	s15 =	simm.s32 $0xA400  }
0x6: {  	s30 =	simm.s32 $0x14800;
	s18 =	simm.s32 $0x10800;
	s19 =	simm.s32 $0x1  }
0x7: {  	s20 =	simm.s32 $0x16C00;
	s31 =	simm.s32 $0x1AC00;
	s21 =	simm.s32 $0x2  }
0x8: {  	s22 =	simm.s32 $0x5;
	s29 =	simm.s32 $0x0;
	s4 =	sand.u32 $0x1, s4  }
0x9: {  	[smem:$0x7FF] =	sst s3;
	s5 =	sshll.u32 s8, $0xF;
	s6 =	sshll.u32 s4, $0xE  }
0xa: {  	s24 =	smul.u32 $0x320000, s8;
	s7 =	ssub.s32 $0x2, s4;
	s5 =	sor.u32 s6, s5  }
0xb: {  	_ =	strace $0x80000047;
	[dreg:$0x5] =	wrdreg s30;
	s0 =	sadd.s32 s5, s0  }
0xc: {  	[dreg:$0x6] =	wrdreg s31;
	s23 =	sshrl.u32 s7, $0x1;
	s5 =	sadd.s32 $0x400, s0  }
0xd: {  	s25 =	sadd.s32 $0xC00, s0;
	s0 =	sadd.s32 $0x800, s0;
	[dreg:$0x7] =	wrdreg s5  }
0xe: {  	s4 =	smul.u32 $0x190000, s4;
	s6 =	ssub.s32 s7, s23;
	[dreg:$0x8] =	wrdreg s0  }
0xf: {  	s26 =	sadd.s32 s24, s2;
	s28 =	smax.u32 s6, $0x1;
	[dreg:$0x4] =	wrdreg s25  }
0x10: {  	s24 =	simm.s32 $0x6;
	[dreg:$0x9] =	wrdreg s28;
	s0 =	sadd.s32 s4, s26  }
0x11: {  	s23 =	simm.s32 $0x3;
	s25 =	simm.s32 $0x4;
	[dreg:$0xa] =	wrdreg s0  }
.LBB2_1:
0x12: {  	s0 =	rddreg [dreg:$0x7];
	s4 =	simm.s32 $0xA  }
0x13: {  	[tilespmem:s3], [sflag:$0xA] =	stream.linear.gather [hbm4b:s0+s3], $0x2000, $0x38;
	[tilespmem:$0x1D000] =	vst v63  }
0x14: {  	_ =	swait.ge [sflag:s4], $0x2000  }
0x15: {  	[sflag:s4] =	ssyncset.done $0x0  }
0x16: {  	s2 =	simm.s32 $0x2000;
	s5 =	rddreg [dreg:$0x8];
	[sflag:s4] =	ssyncadd.s32 $0xFFFFE000  }
0x17: {  	[tilespmem:s2], [sflag:$0x9] =	stream.linear.gather [hbm4b:s5+s3], $0x2000, $0x38;
	[tilespmem:$0x1D000] =	vst v63  }
0x18: {  	_ = 	snop  }
0x19: {  	[tilespmem:s11], [sflag:$0x1] =	stream.indirect.gather [hbm4b:s1+s10], $0x80, s3, s10, $0xb8;
	[tilespmem:$0x1D000] =	vst v63  }
0x1a: {  	s6 =	simm.s32 $0x400;
	s7 =	simm.s32 $0x8000  }
0x1b: {  	[tilespmem:s7], [sflag:$0x1] =	stream.indirect.gather [hbm4b:s1+s12], $0x80, s6, s12, $0xb8;
	[tilespmem:$0x1D000] =	vst v63  }
0x1c: {  	p0 =	por $0x1, $0x1  }
0x1d: {  	[tilespmem:s15], [sflag:$0x2] =	stream.indirect.gather [hbm4b:s1+s10], $0x80, s10, s10, $0xb8;
	[tilespmem:$0x1D000] =	vst v63  }
0x1e: {  	s8 =	simm.s32 $0x480;
	s9 =	simm.s32 $0xE400;
	s0 =	simm.s32 @!p0 $0x7  }
0x1f: {  	[tilespmem:s9], [sflag:$0x2] =	stream.indirect.gather [hbm4b:s1+s12], $0x80, s8, s12, $0xb8;
	[tilespmem:$0x1D000] =	vst v63  }
0x20: {  	s13 =	simm.s32 $0x100;
	_ =	swait.ge @!p0 [sflag:s0], $0x6400  }
0x21: {  	s4 =	sand.u32 $0x3800, s3;
	s2 =	sand.u32 $0x300, s13;
	[sflag:s0] =	ssyncset.done @!p0 $0x0  }
0x22: {  	s14 =	sor.u32 s2, s4;
	[sflag:s0] =	ssyncadd.s32 @!p0 $0xFFFF9C00  }
0x23: {  	[tilespmem:s18], [sflag:$0x3] =	stream.indirect.gather [hbm4b:s1+s10], $0x80, s14, s10, $0xb8;
	[tilespmem:$0x1D000] =	vst v63  }
0x24: {  	s9 =	rddreg [dreg:$0x5];
	s0 =	sor.u32 $0x400, s14  }
0x25: {  	[tilespmem:s9], [sflag:$0x3] =	stream.indirect.gather [hbm4b:s1+s12], $0x80, s0, s12, $0xb8;
	[tilespmem:$0x1D000] =	vst v63  }
0x26: {  	_ =	swait.ge [sflag:s19], $0x4000  }
0x27: {  	[sflag:s19] =	ssyncset.done $0x0  }
0x28: {  	[sflag:s19] =	ssyncadd.s32 $0xFFFFC000  }
0x29: {  	_ =	swait.ge [sflag:s19], $0x2400  }
0x2a: {  	[sflag:s19] =	ssyncset.done $0x0  }
0x2b: {  	s0 =	simm.s32 @!p0 $0x8;
	s5 =	rddreg [dreg:$0xa];
	[sflag:s19] =	ssyncadd.s32 $0xFFFFDC00  }
0x2c: {  	[hbm4b:s5+s3] =	stream.linear.scatter [tilespmem:s11], [sflag:$0x5], $0x6400, $0x38;
	[tilespmem:$0x1D000] =	vst v63  }
0x2d: {  	s16 =	simm.s32 $0x180;
	_ =	swait.ge @!p0 [sflag:s0], $0x6400  }
0x2e: {  	s2 =	sand.u32 $0x380, s16;
	[sflag:s0] =	ssyncset.done @!p0 $0x0  }
0x2f: {  	s2 =	sadd.s32 s2, s4;
	[sflag:s0] =	ssyncadd.s32 @!p0 $0xFFFF9C00  }
0x30: {  	[tilespmem:s20], [sflag:$0x4] =	stream.indirect.gather [hbm4b:s1+s10], $0x80, s2, s10, $0xb8;
	[tilespmem:$0x1D000] =	vst v63  }
0x31: {  	s26 =	sadd.s32 $0x400, s2;
	s17 =	rddreg [dreg:$0x6]  }
0x32: {  	[tilespmem:s17], [sflag:$0x4] =	stream.indirect.gather [hbm4b:s1+s12], $0x80, s26, s12, $0xb8;
	[tilespmem:$0x1D000] =	vst v63  }
0x33: {  	_ =	swait.ge [sflag:s21], $0x4000  }
0x34: {  	[sflag:s21] =	ssyncset.done $0x0  }
0x35: {  	[sflag:s21] =	ssyncadd.s32 $0xFFFFC000  }
0x36: {  	_ =	swait.ge [sflag:s21], $0x2400  }
0x37: {  	p0 =	por $0x0, $0x0;
	[sflag:s21] =	ssyncset.done $0x0  }
0x38: {  	s28 =	sadd.s32 $0xC80, s5;
	s0 =	sand.u32 @!p0 $0x1C, s25;
	[sflag:s21] =	ssyncadd.s32 $0xFFFFDC00  }
0x39: {  	[hbm4b:s28+s3] =	stream.linear.scatter [tilespmem:s15], [sflag:$0x6], $0x6400, $0x38;
	[tilespmem:$0x1D000] =	vst v63  }
0x3a: {  	p1 =	sne.s32 @!p0 s0, $0x0;
	_ =	swait.ge [sflag:s22], $0x6400  }
0x3b: {  	s2 =	simm.s32 @!p0 $0x400;
	p1 =	por p1, p0;
	[sflag:s22] =	ssyncset.done $0x0  }
0x3c: {  	s0 =	simm.s32 @!p0 $0x200;
	s4 =	simm.s32 @!p1 $0x9;
	[sflag:s22] =	ssyncadd.s32 $0xFFFF9C00  }
0x3d: {  	s2 =	sand.u32 @!p0 $0x3800, s2;
	s0 =	sand.u32 @!p0 $0x200, s0;
	_ =	swait.ge @!p1 [sflag:s4], $0x2000  }
0x3e: {  	s0 =	sor.u32 @!p0 s0, s2;
	[sflag:s4] =	ssyncset.done @!p1 $0x0  }
0x3f: {  	s2 =	simm.s32 @!p0 $0x4000;
	[sflag:s4] =	ssyncadd.s32 @!p1 $0xFFFFE000;
	s4 =	simm.s32 @!p0 $0x80  }
0x40: {  	[tilespmem:s2], [sflag:$0x1] =	stream.indirect.gather @!p0 [hbm4b:s1+s4], $0x80, s0, s4, $0xb8;
	[tilespmem:$0x1D000] =	vst v63  }
0x41: {  	s14 =	simm.s32 @!p0 $0x48;
	s2 =	simm.s32 @!p0 $0x8000;
	s0 =	sor.u32 @!p0 $0x400, s0  }
0x42: {  	[tilespmem:s2], [sflag:$0x1] =	stream.indirect.gather @!p0 [hbm4b:s1+s14], $0x80, s0, s14, $0xb8;
	[tilespmem:$0x1D000] =	vst v63  }
0x43: {  	_ =	swait.ge [sflag:s23], $0x4000  }
0x44: {  	[sflag:s23] =	ssyncset.done $0x0  }
0x45: {  	p2 =	por $0x0, $0x0;
	[sflag:s23] =	ssyncadd.s32 $0xFFFFC000  }
0x46: {  	s31 =	simm.s32 $0x8;
	s13 =	sadd.s32 $0x1900, s5;
	_ =	swait.ge [sflag:s23], $0x2400  }
0x47: {  	s30 =	sadd.s32 $0x3200, s5;
	s9 =	simm.s32 @!p0 $0x500;
	[sflag:s23] =	ssyncset.done $0x0  }
0x48: {  	s9 =	sand.u32 @!p0 $0x3800, s9;
	s0 =	simm.s32 $0x280;
	[sflag:s23] =	ssyncadd.s32 $0xFFFFDC00  }
0x49: {  	[hbm4b:s13+s3] =	stream.linear.scatter [tilespmem:s18], [sflag:$0x7], $0x6400, $0x38;
	[tilespmem:$0x1D000] =	vst v63  }
0x4a: {  	s2 =	simm.s32 $0x480;
	s0 =	sand.u32 @!p0 $0x280, s0;
	_ =	swait.ge [sflag:s24], $0x6400  }
0x4b: {  	s0 =	sor.u32 @!p0 s0, s9;
	s9 =	simm.s32 @!p0 $0xA400;
	[sflag:s24] =	ssyncset.done $0x0  }
0x4c: {  	s16 =	sor.u32 @!p0 $0x400, s0;
	s13 =	simm.s32 $0x680;
	[sflag:s24] =	ssyncadd.s32 $0xFFFF9C00  }
0x4d: {  	[tilespmem:s9], [sflag:$0x2] =	stream.indirect.gather @!p0 [hbm4b:s1+s4], $0x80, s0, s4, $0xb8;
	[tilespmem:$0x1D000] =	vst v63  }
0x4e: {  	s9 =	simm.s32 $0x400;
	s0 =	simm.s32 @!p0 $0xE400;
	s4 =	sadd.s32 $0x2580, s5  }
0x4f: {  	[tilespmem:s0], [sflag:$0x2] =	stream.indirect.gather @!p0 [hbm4b:s1+s14], $0x80, s16, s14, $0xb8;
	[tilespmem:$0x1D000] =	vst v63  }
0x50: {  	s16 =	simm.s32 $0x3;
	s0 =	simm.s32 $0x0;
	s14 =	simm.s32 $0x0  }
.LBB2_2:
0x51: {  	s5 =	sand.u32 $0x1F, s16;
	_ =	swait.ge [sflag:s25], $0x4000  }
0x52: {  	[sflag:s25] =	ssyncset.done $0x0;
	p0 =	sne.s32 @!p2 s5, $0x1F  }
0x53: {  	[sflag:s25] =	ssyncadd.s32 $0xFFFFC000;
	p2 =	por p0, p2  }
0x54: {  	p1 =	seq.s32 s2, $0x280;
	_ =	swait.ge [sflag:s25], $0x2400;
	s8 =	sshll.u32 @!p2 s14, $0x7  }
0x55: {  	s14 =	sshll.u32 @!p2 s14, $0xA;
	[sflag:s25] =	ssyncset.done $0x0;
	s8 =	sand.u32 @!p2 $0xFFFFFC00, s8  }
0x56: {  	s26 =	rddreg [dreg:$0x4];
	s14 =	sand.u32 @!p2 $0x2000, s14;
	[sflag:s25] =	ssyncadd.s32 $0xFFFFDC00  }
0x57: {  	[hbm4b:s4+s3] =	stream.linear.scatter [tilespmem:s20], [sflag:$0x8], $0x6400, $0x38;
	[tilespmem:$0x1D000] =	vst v63  }
0x58: {  	s8 =	sadd.s32 @!p2 s8, s26;
	s26 =	simm.s32 @!p2 $0x0;
	s4 =	simm.s32 @!p1 $0x7  }
0x59: {  	[tilespmem:s14], [sflag:$0x9] =	stream.linear.gather @!p2 [hbm4b:s8+s26], $0x2000, $0x38;
	[tilespmem:$0x1D000] =	vst v63  }
0x5a: {  	s6 =	sadd.s32 $0xFFFFFE80, s2;
	_ =	swait.ge @!p1 [sflag:s4], $0x6400  }
0x5b: {  	s7 =	sand.u32 $0x3800, s9;
	s6 =	sand.u32 $0x300, s6;
	[sflag:s4] =	ssyncset.done @!p1 $0x0  }
0x5c: {  	s28 =	sor.u32 s6, s7;
	[sflag:s4] =	ssyncadd.s32 @!p1 $0xFFFF9C00  }
0x5d: {  	[tilespmem:s18], [sflag:$0x3] =	stream.indirect.gather [hbm4b:s1+s10], $0x80, s28, s10, $0xb8;
	[tilespmem:$0x1D000] =	vst v63  }
0x5e: {  	s26 =	rddreg [dreg:$0x5];
	s4 =	sor.u32 $0x400, s28  }
0x5f: {  	[tilespmem:s26], [sflag:$0x3] =	stream.indirect.gather [hbm4b:s1+s12], $0x80, s4, s12, $0xb8;
	[tilespmem:$0x1D000] =	vst v63  }
0x60: {  	_ =	swait.ge [sflag:s19], $0x4000  }
0x61: {  	[sflag:s19] =	ssyncset.done $0x0  }
0x62: {  	[sflag:s19] =	ssyncadd.s32 $0xFFFFC000  }
0x63: {  	_ =	swait.ge [sflag:s19], $0x2400  }
0x64: {  	[sflag:s19] =	ssyncset.done $0x0  }
0x65: {  	s5 =	simm.s32 @!p1 $0x8;
	[sflag:s19] =	ssyncadd.s32 $0xFFFFDC00  }
0x66: {  	[hbm4b:s30+s3] =	stream.linear.scatter [tilespmem:s11], [sflag:$0x5], $0x6400, $0x38;
	[tilespmem:$0x1D000] =	vst v63  }
0x67: {  	s6 =	sadd.s32 $0xFFFFFF00, s2;
	_ =	swait.ge @!p1 [sflag:s5], $0x6400  }
0x68: {  	s4 =	sand.u32 $0x380, s6;
	[sflag:s5] =	ssyncset.done @!p1 $0x0  }
0x69: {  	s4 =	sadd.s32 s4, s7;
	[sflag:s5] =	ssyncadd.s32 @!p1 $0xFFFF9C00  }
0x6a: {  	[tilespmem:s20], [sflag:$0x4] =	stream.indirect.gather [hbm4b:s1+s10], $0x80, s4, s10, $0xb8;
	[tilespmem:$0x1D000] =	vst v63  }
0x6b: {  	s7 =	rddreg [dreg:$0x6];
	s4 =	sadd.s32 $0x400, s4  }
0x6c: {  	[tilespmem:s7], [sflag:$0x4] =	stream.indirect.gather [hbm4b:s1+s12], $0x80, s4, s12, $0xb8;
	[tilespmem:$0x1D000] =	vst v63  }
0x6d: {  	_ =	swait.ge [sflag:s21], $0x4000  }
0x6e: {  	[sflag:s21] =	ssyncset.done $0x0  }
0x6f: {  	p1 =	seq.s32 s2, $0x10080;
	[sflag:s21] =	ssyncadd.s32 $0xFFFFC000  }
0x70: {  	s17 =	smov.u32 s13;
	s5 =	sand.u32 @!p1 $0x1C, s31;
	_ =	swait.ge [sflag:s21], $0x2400  }
0x71: {  	s8 =	sadd.s32 @!p1 $0xFFFFFF80, s2;
	p2 =	sne.s32 @!p1 s5, $0x0;
	[sflag:s21] =	ssyncset.done $0x0  }
0x72: {  	s5 =	sand.u32 @!p1 $0x200, s8;
	s8 =	sadd.s32 $0xC80, s30;
	[sflag:s21] =	ssyncadd.s32 $0xFFFFDC00  }
0x73: {  	[hbm4b:s8+s3] =	stream.linear.scatter [tilespmem:s15], [sflag:$0x6], $0x6400, $0x38;
	[tilespmem:$0x1D000] =	vst v63  }
0x74: {  	s4 =	sadd.s32 @!p1 $0x400, s9;
	p2 =	por p2, p1;
	_ =	swait.ge [sflag:s22], $0x6400  }
0x75: {  	s4 =	sand.u32 @!p1 $0x3800, s4;
	s7 =	simm.s32 @!p2 $0x9;
	[sflag:s22] =	ssyncset.done $0x0  }
0x76: {  	s4 =	sor.u32 @!p1 s5, s4;
	s5 =	sadd.s32 @!p1 $0x500, s9;
	[sflag:s22] =	ssyncadd.s32 $0xFFFF9C00  }
0x77: {  	s2 =	sand.u32 @!p1 $0x280, s2;
	s5 =	sand.u32 @!p1 $0x3800, s5;
	_ =	swait.ge @!p2 [sflag:s7], $0x2000  }
0x78: {  	s5 =	sor.u32 @!p1 s2, s5;
	s2 =	smov.u32 s17;
	[sflag:s7] =	ssyncset.done @!p2 $0x0  }
0x79: {  	s17 =	simm.s32 @!p1 $0x4000;
	[sflag:s7] =	ssyncadd.s32 @!p2 $0xFFFFE000;
	s7 =	simm.s32 @!p1 $0x80  }
0x7a: {  	[tilespmem:s17], [sflag:$0x1] =	stream.indirect.gather @!p1 [hbm4b:s1+s7], $0x80, s4, s7, $0xb8;
	[tilespmem:$0x1D000] =	vst v63  }
0x7b: {  	s6 =	simm.s32 @!p1 $0x48;
	s26 =	sor.u32 @!p1 $0x400, s4;
	s8 =	simm.s32 @!p1 $0x8000  }
0x7c: {  	[tilespmem:s8], [sflag:$0x1] =	stream.indirect.gather @!p1 [hbm4b:s1+s6], $0x80, s26, s6, $0xb8;
	[tilespmem:$0x1D000] =	vst v63  }
0x7d: {  	_ =	swait.ge [sflag:s23], $0x4000  }
0x7e: {  	[sflag:s23] =	ssyncset.done $0x0  }
0x7f: {  	s0 =	sadd.s32 $0x1, s0;
	[sflag:s23] =	ssyncadd.s32 $0xFFFFC000  }
0x80: {  	s13 =	sadd.s32 $0x200, s13;
	s16 =	smov.u32 s31;
	_ =	swait.ge [sflag:s23], $0x2400  }
0x81: {  	s16 =	sadd.s32 $0xFFFFFFFF, s16;
	p0 =	sne.s32 s13, $0x10280;
	[sflag:s23] =	ssyncset.done $0x0  }
0x82: {  	s14 =	smov.u32 s0;
	s26 =	sadd.s32 $0x1900, s30;
	[sflag:s23] =	ssyncadd.s32 $0xFFFFDC00  }
0x83: {  	[hbm4b:s26+s3] =	stream.linear.scatter [tilespmem:s18], [sflag:$0x7], $0x6400, $0x38;
	[tilespmem:$0x1D000] =	vst v63  }
0x84: {  	s31 =	sadd.s32 $0x4, s31;
	s9 =	sadd.s32 $0x400, s9;
	_ =	swait.ge [sflag:s24], $0x6400  }
.Ltmp0:
0x85: {  	s28 =	sor.u32 @!p1 $0x400, s5;
	[sflag:s24] =	ssyncset.done $0x0;
	(pc) =	sbr.rel @p0 .LBB2_2-.Ltmp0, $4  }
0x86: {  	p2 =	sgt.u32 s0, $0x6F;
	s8 =	simm.s32 @!p1 $0xA400;
	[sflag:s24] =	ssyncadd.s32 $0xFFFF9C00  }
0x87: {  	[tilespmem:s8], [sflag:$0x2] =	stream.indirect.gather @!p1 [hbm4b:s1+s7], $0x80, s5, s7, $0xb8;
	[tilespmem:$0x1D000] =	vst v63  }
0x88: {  	s4 =	sadd.s32 $0x2580, s30;
	s30 =	sadd.s32 $0x3200, s30;
	s5 =	simm.s32 @!p1 $0xE400  }
0x89: {  	[tilespmem:s5], [sflag:$0x2] =	stream.indirect.gather @!p1 [hbm4b:s1+s6], $0x80, s28, s6, $0xb8;
	[tilespmem:$0x1D000] =	vst v63  }
0x8a: {  	s5 =	sand.u32 $0x1F, s16;
	_ =	swait.ge [sflag:s25], $0x4000  }
0x8b: {  	[sflag:s25] =	ssyncset.done $0x0;
	p0 =	sne.s32 @!p2 s5, $0x1F  }
0x8c: {  	[sflag:s25] =	ssyncadd.s32 $0xFFFFC000;
	p1 =	por p0, p2  }
0x8d: {  	p0 =	seq.s32 s2, $0x280;
	_ =	swait.ge [sflag:s25], $0x2400;
	s5 =	sshll.u32 @!p1 s14, $0x7  }
0x8e: {  	s6 =	sshll.u32 @!p1 s14, $0xA;
	[sflag:s25] =	ssyncset.done $0x0;
	s7 =	rddreg [dreg:$0x4]  }
0x8f: {  	s5 =	sand.u32 @!p1 $0xFFFFFC00, s5;
	s6 =	sand.u32 @!p1 $0x2000, s6;
	[sflag:s25] =	ssyncadd.s32 $0xFFFFDC00  }
0x90: {  	[hbm4b:s4+s3] =	stream.linear.scatter [tilespmem:s20], [sflag:$0x8], $0x6400, $0x38;
	[tilespmem:$0x1D000] =	vst v63  }
0x91: {  	s5 =	sadd.s32 @!p1 s5, s7;
	s7 =	simm.s32 @!p1 $0x0;
	s4 =	simm.s32 @!p0 $0x7  }
0x92: {  	[tilespmem:s6], [sflag:$0x9] =	stream.linear.gather @!p1 [hbm4b:s5+s7], $0x2000, $0x38;
	[tilespmem:$0x1D000] =	vst v63  }
0x93: {  	s17 =	sadd.s32 $0xFFFFFE80, s2;
	_ =	swait.ge @!p0 [sflag:s4], $0x6400  }
0x94: {  	s26 =	sand.u32 $0x3800, s9;
	s5 =	sand.u32 $0x300, s17;
	[sflag:s4] =	ssyncset.done @!p0 $0x0  }
0x95: {  	s5 =	sor.u32 s5, s26;
	[sflag:s4] =	ssyncadd.s32 @!p0 $0xFFFF9C00  }
0x96: {  	[tilespmem:s18], [sflag:$0x3] =	stream.indirect.gather [hbm4b:s1+s10], $0x80, s5, s10, $0xb8;
	[tilespmem:$0x1D000] =	vst v63  }
0x97: {  	s28 =	rddreg [dreg:$0x5];
	s4 =	sor.u32 $0x400, s5  }
0x98: {  	[tilespmem:s28], [sflag:$0x3] =	stream.indirect.gather [hbm4b:s1+s12], $0x80, s4, s12, $0xb8;
	[tilespmem:$0x1D000] =	vst v63  }
0x99: {  	_ =	swait.ge [sflag:s19], $0x4000  }
0x9a: {  	[sflag:s19] =	ssyncset.done $0x0  }
0x9b: {  	[sflag:s19] =	ssyncadd.s32 $0xFFFFC000  }
0x9c: {  	_ =	swait.ge [sflag:s19], $0x2400  }
0x9d: {  	[sflag:s19] =	ssyncset.done $0x0  }
0x9e: {  	s4 =	simm.s32 @!p0 $0x8;
	[sflag:s19] =	ssyncadd.s32 $0xFFFFDC00  }
0x9f: {  	[hbm4b:s30+s3] =	stream.linear.scatter [tilespmem:s11], [sflag:$0x5], $0x6400, $0x38;
	[tilespmem:$0x1D000] =	vst v63  }
0xa0: {  	s7 =	sadd.s32 $0xFFFFFF00, s2;
	_ =	swait.ge @!p0 [sflag:s4], $0x6400  }
0xa1: {  	s5 =	sand.u32 $0x380, s7;
	[sflag:s4] =	ssyncset.done @!p0 $0x0  }
0xa2: {  	s5 =	sadd.s32 s5, s26;
	[sflag:s4] =	ssyncadd.s32 @!p0 $0xFFFF9C00  }
0xa3: {  	[tilespmem:s20], [sflag:$0x4] =	stream.indirect.gather [hbm4b:s1+s10], $0x80, s5, s10, $0xb8;
	[tilespmem:$0x1D000] =	vst v63  }
0xa4: {  	s13 =	sadd.s32 $0x400, s5;
	s8 =	rddreg [dreg:$0x6]  }
0xa5: {  	[tilespmem:s8], [sflag:$0x4] =	stream.indirect.gather [hbm4b:s1+s12], $0x80, s13, s12, $0xb8;
	[tilespmem:$0x1D000] =	vst v63  }
0xa6: {  	_ =	swait.ge [sflag:s21], $0x4000  }
0xa7: {  	[sflag:s21] =	ssyncset.done $0x0  }
0xa8: {  	[sflag:s21] =	ssyncadd.s32 $0xFFFFC000  }
0xa9: {  	_ =	swait.ge [sflag:s21], $0x2400  }
0xaa: {  	p0 =	seq.s32 s2, $0x10080;
	[sflag:s21] =	ssyncset.done $0x0  }
0xab: {  	s14 =	sadd.s32 $0xC80, s30;
	s4 =	sand.u32 @!p0 $0x1C, s31;
	[sflag:s21] =	ssyncadd.s32 $0xFFFFDC00  }
0xac: {  	[hbm4b:s14+s3] =	stream.linear.scatter [tilespmem:s15], [sflag:$0x6], $0x6400, $0x38;
	[tilespmem:$0x1D000] =	vst v63  }
0xad: {  	p1 =	sne.s32 @!p0 s4, $0x0;
	_ =	swait.ge [sflag:s22], $0x6400  }
0xae: {  	s5 =	sadd.s32 @!p0 $0x400, s9;
	p1 =	por p1, p0;
	[sflag:s22] =	ssyncset.done $0x0  }
0xaf: {  	s4 =	sadd.s32 @!p0 $0xFFFFFF80, s2;
	s6 =	simm.s32 @!p1 $0x9;
	[sflag:s22] =	ssyncadd.s32 $0xFFFF9C00  }
0xb0: {  	s5 =	sand.u32 @!p0 $0x3800, s5;
	s4 =	sand.u32 @!p0 $0x200, s4;
	_ =	swait.ge @!p1 [sflag:s6], $0x2000  }
0xb1: {  	s4 =	sor.u32 @!p0 s4, s5;
	[sflag:s6] =	ssyncset.done @!p1 $0x0  }
0xb2: {  	s5 =	simm.s32 @!p0 $0x80;
	[sflag:s6] =	ssyncadd.s32 @!p1 $0xFFFFE000;
	s6 =	simm.s32 @!p0 $0x4000  }
0xb3: {  	[tilespmem:s6], [sflag:$0x1] =	stream.indirect.gather @!p0 [hbm4b:s1+s5], $0x80, s4, s5, $0xb8;
	[tilespmem:$0x1D000] =	vst v63  }
0xb4: {  	s7 =	simm.s32 @!p0 $0x8000;
	s6 =	simm.s32 @!p0 $0x48;
	s4 =	sor.u32 @!p0 $0x400, s4  }
0xb5: {  	[tilespmem:s7], [sflag:$0x1] =	stream.indirect.gather @!p0 [hbm4b:s1+s6], $0x80, s4, s6, $0xb8;
	[tilespmem:$0x1D000] =	vst v63  }
0xb6: {  	_ =	swait.ge [sflag:s23], $0x4000  }
0xb7: {  	[sflag:s23] =	ssyncset.done $0x0  }
0xb8: {  	[sflag:s23] =	ssyncadd.s32 $0xFFFFC000  }
0xb9: {  	_ =	swait.ge [sflag:s23], $0x2400  }
0xba: {  	[sflag:s23] =	ssyncset.done $0x0  }
0xbb: {  	s16 =	sadd.s32 $0x1900, s30;
	[sflag:s23] =	ssyncadd.s32 $0xFFFFDC00  }
0xbc: {  	[hbm4b:s16+s3] =	stream.linear.scatter [tilespmem:s18], [sflag:$0x7], $0x6400, $0x38;
	[tilespmem:$0x1D000] =	vst v63  }
0xbd: {  	s4 =	sadd.s32 @!p0 $0x500, s9;
	_ =	swait.ge [sflag:s24], $0x6400  }
0xbe: {  	s2 =	sand.u32 @!p0 $0x280, s2;
	s4 =	sand.u32 @!p0 $0x3800, s4;
	[sflag:s24] =	ssyncset.done $0x0  }
0xbf: {  	s2 =	sor.u32 @!p0 s2, s4;
	s4 =	simm.s32 @!p0 $0xA400;
	[sflag:s24] =	ssyncadd.s32 $0xFFFF9C00  }
0xc0: {  	[tilespmem:s4], [sflag:$0x2] =	stream.indirect.gather @!p0 [hbm4b:s1+s5], $0x80, s2, s5, $0xb8;
	[tilespmem:$0x1D000] =	vst v63  }
0xc1: {  	s2 =	sor.u32 @!p0 $0x400, s2;
	s4 =	simm.s32 @!p0 $0xE400  }
0xc2: {  	[tilespmem:s4], [sflag:$0x2] =	stream.indirect.gather @!p0 [hbm4b:s1+s6], $0x80, s2, s6, $0xb8;
	[tilespmem:$0x1D000] =	vst v63  }
0xc3: {  	s0 =	sadd.s32 $0x1, s0;
	s17 =	sadd.s32 $0xFFFFFFFF, s31;
	_ =	swait.ge [sflag:s25], $0x4000  }
0xc4: {  	p0 =	sgt.u32 s0, $0x6F;
	s2 =	sand.u32 $0x1F, s17;
	[sflag:s25] =	ssyncset.done $0x0  }
0xc5: {  	s26 =	sadd.s32 $0x2580, s30;
	p1 =	sne.s32 @!p0 s2, $0x1F;
	[sflag:s25] =	ssyncadd.s32 $0xFFFFC000  }
0xc6: {  	s28 =	simm.s32 $0x7;
	p0 =	por p1, p0;
	_ =	swait.ge [sflag:s25], $0x2400  }
0xc7: {  	s4 =	sshll.u32 @!p0 s0, $0x7;
	s0 =	sshll.u32 @!p0 s0, $0xA;
	[sflag:s25] =	ssyncset.done $0x0  }
0xc8: {  	s4 =	sand.u32 @!p0 $0xFFFFFC00, s4;
	s2 =	rddreg [dreg:$0x4];
	[sflag:s25] =	ssyncadd.s32 $0xFFFFDC00  }
0xc9: {  	[hbm4b:s26+s3] =	stream.linear.scatter [tilespmem:s20], [sflag:$0x8], $0x6400, $0x38;
	[tilespmem:$0x1D000] =	vst v63  }
0xca: {  	s0 =	sand.u32 @!p0 $0x2000, s0;
	s2 =	sadd.s32 @!p0 s4, s2;
	s4 =	simm.s32 @!p0 $0x0  }
0xcb: {  	[tilespmem:s0], [sflag:$0x9] =	stream.linear.gather @!p0 [hbm4b:s2+s4], $0x2000, $0x38;
	[tilespmem:$0x1D000] =	vst v63  }
0xcc: {  	_ =	swait.ge [sflag:s28], $0x6400  }
0xcd: {  	[sflag:s28] =	ssyncset.done $0x0  }
0xce: {  	s30 =	simm.s32 $0x8;
	[sflag:s28] =	ssyncadd.s32 $0xFFFF9C00  }
0xcf: {  	_ =	swait.ge [sflag:s30], $0x6400  }
0xd0: {  	s29 =	sadd.s32 $0x1, s29;
	s31 =	rddreg [dreg:$0x9]  }
0xd1: {  	p0 =	sne.s32 s29, s31  }
.Ltmp1:
0xd2: {  	_ = 	snop;
	(pc) =	sbr.rel @p0 .LBB2_1-.Ltmp1, $3  }
0xd3: {  	_ =	sdelay $0x1  }
0xd4: {  	[sflag:s30] =	ssyncset.done $0x0  }
0xd5: {  	[sflag:s30] =	ssyncadd.s32 $0xFFFF9C00  }
0xd6: {  	_ =	sfence.sel $0x180000  }
0xd7: {  	[bflag:$0x0] =	sbarrier.arrive $0xFFFF  }
0xd8: {  	_ =	strace $0x90000047  }
0xd9: {  	s0 =	stileid.u32;
	[bflag:$0x2] =	sbarrier.arrive $0xFFFF  }
0xda: {  	p0 =	sne.s32 s0, $0x0;
	s0 =	rddreg [dreg:$0x3]  }
0xdb: {  	s0 =	sadd.s32 @!p0 $0x100000, s0  }
0xdc: {  	[sflag:s0] =	ssyncadd.tile.s32 @!p0 $0x1;
	_ =	shalt  }
.Lfunc_end2:
_tile_overlayer_lowered:
.L_overlay_start_2:
0xdd: {  	(tag) =	ssettag $0x2  }
0xde: {  	s0 =	rddreg [dreg:$0x0];
	s2 =	stileid.u32  }
0xdf: {  	s1 =	rddreg [dreg:$0x1];
	p0 =	sne.s32 s2, $0x0  }
0xe0: {  	s3 =	rddreg [dreg:$0x2];
	[bflag:$0x3] =	sbarrier.arrive $0xFFFF;
	s2 =	simm.s32 @!p0 $0x1C0A  }
0xe1: {  	[timem:s3], [sflag:s2] =	dma.local @!p0 [hbm:s0], s1  }
0xe2: {  	s0 =	simm.s32 @!p0 $0xA  }
0xe3: {  	_ =	swait.ge @!p0 [sflag:s0], s1  }
0xe4: {  	s1 =	ssub.s32 @!p0 $0x0, s1;
	[sflag:s0] =	ssyncset.done @!p0 $0x0  }
0xe5: {  	[sflag:s0] =	ssyncadd.s32 @!p0 s1  }
0xe6: {  	[bflag:$0x3] =	sbarrier.arrive $0xFFFF  }
0xe7: {  	_ =	shalt  }

</sc_bundles>
